<compile_context>
chip_gen: v7x
topology: tpu7x:2x2x1
jax: 0.10.2.dev20260603
libtpu: 0.0.44.dev20260713+nightly
codegen_flags: <defaults>
</compile_context>

<pallas_src>
import functools

import jax
import jax.numpy as jnp
from jax import lax
from jax.experimental import pallas as pl
from jax.experimental.pallas import tpu as pltpu
from jax.experimental.pallas import tpu_sc as plsc

_EPS = 1e-30
_LN2 = 0.6931471805599453
_B = 16384
_V = 29
_T = 32
_L = 16

_C = (9.975032552119053e-06, 0.9992354838332771, -0.4902307234234269,
      0.28527268109062165, -0.13158182508881333, 0.03044900453868939)


def _log16(x):
    bits = lax.bitcast_convert_type(x, jnp.int32)
    e = (bits >> 23) - 127
    t = lax.bitcast_convert_type(
        (bits & 0x007FFFFF) | 0x3F800000, jnp.float32) - 1.0
    p = _C[0] + t * (_C[1] + t * (_C[2] + t * (_C[3] + t * (_C[4] + t * _C[5]))))
    return e.astype(jnp.float32) * _LN2 + p


def _make_sc_kernel():
    info = plsc.get_sparse_core_info()
    nc, ns = 1, info.num_subcores
    nw = nc * ns
    bpw = _B // nw
    mesh = plsc.VectorSubcoreMesh(core_axis_name="c", subcore_axis_name="s",
                                  num_cores=1)

    @functools.partial(
        pl.kernel,
        mesh=mesh,
        out_type=jax.ShapeDtypeStruct((_B,), jnp.float32),
        compiler_params=pltpu.CompilerParams(needs_layout_passes=False),
        scratch_types=[
            pltpu.VMEM((_T,), jnp.float32),
            pltpu.VMEM((bpw,), jnp.int32),
            pltpu.VMEM((bpw,), jnp.float32),
            pltpu.SemaphoreType.DMA,
            pltpu.SemaphoreType.DMA,
            pltpu.SemaphoreType.DMA,
        ],
    )
    def sc_kernel(prob_hbm, idx_hbm, out_hbm, tab_v, idx_v, out_v,
                  psem, sem, osem):
        wid = lax.axis_index("s") * nc + lax.axis_index("c")
        base = wid * bpw
        prob_cp = pltpu.async_copy(prob_hbm, tab_v.at[pl.ds(0, _V)], psem)
        idx_cp = pltpu.async_copy(idx_hbm.at[pl.ds(base, bpw)], idx_v, sem)
        prob_cp.wait()
        for j in range(_T // _L):
            x = tab_v[pl.ds(j * _L, _L)] + _EPS
            tab_v[pl.ds(j * _L, _L)] = _log16(x)
        idx_cp.wait()
        nchunk = 4
        chunk = bpw // nchunk
        out_cps = []
        for h in range(nchunk):
            for i in range(h * chunk // _L, (h + 1) * chunk // _L):
                idx = idx_v[pl.ds(i * _L, _L)]
                out_v[pl.ds(i * _L, _L)] = plsc.load_gather(tab_v, [idx])
            out_cps.append(pltpu.async_copy(
                out_v.at[pl.ds(h * chunk, chunk)],
                out_hbm.at[pl.ds(base + h * chunk, chunk)], osem))
        for cp in out_cps:
            cp.wait()

    return sc_kernel


_SC_KERNEL = _make_sc_kernel()


def kernel(batch_n_nodes, prob):
    return _SC_KERNEL(prob.astype(jnp.float32), batch_n_nodes.astype(jnp.int32))

# --- scband reference (transcript-rebuilt; emitter-appended) ---
"""Pipeline reference for scband-num-nodes-distribution-57483842290042 (READ-ONLY COPY).

The authoritative reference and input builder live on the scoring server;
editing this copy changes nothing except your own understanding.
"""

import jax, jax.numpy as jnp
import numpy as np

COUNTS = [1, 2, 5, 11, 25, 48, 90, 160, 270, 420, 610, 830, 1050, 1250, 1400, 1480, 1450, 1330, 1140, 910, 680, 470, 300, 180, 100, 52, 25, 11, 4]
EPS = 1e-30


def setup_inputs(seed: int = 0) -> dict:
    key = jax.random.key(seed)
    # buffer 'prob' built from the histogram exactly as in __init__
    counts = jnp.array(COUNTS, dtype=jnp.float32)
    prob = counts / jnp.sum(counts)
    # histogram keys are 0..28 in insertion order, so keys[n] == n
    batch_n_nodes = jax.random.randint(key, (16384,), 0, 29, dtype=jnp.int64 if jax.config.read('jax_enable_x64') else jnp.int32)
    return {"batch_n_nodes": batch_n_nodes, "prob": prob}


def reference(batch_n_nodes, prob):
    # log_prob(batch_n_nodes): idcs = keys[n] == n for keys 0..28
    log_p = jnp.log(prob + EPS)
    idcs = batch_n_nodes
    log_probs = jnp.take(log_p, idcs, axis=0)
    return log_probs

if __name__ == "__main__":
    import jax
    _d = setup_inputs()
    print(jax.jit(kernel)(*tuple(_d.values())))

</pallas_src>

<mosaic_0001>
#map = affine_map<(d0, d1) -> (0)>
module attributes {stable_mosaic.version = 14 : i64} {
  func.func @sc_kernel(%arg0: i32, %arg1: i32, %arg2: memref<29xf32, #tpu.memory_space<hbm>>, %arg3: memref<16384xi32, #tpu.memory_space<hbm>>, %arg4: memref<16384xf32, #tpu.memory_space<hbm>>, %arg5: memref<32xf32, #tpu.memory_space<vmem>>, %arg6: memref<1024xi32, #tpu.memory_space<vmem>>, %arg7: memref<1024xf32, #tpu.memory_space<vmem>>, %arg8: memref<!tpu.dma_semaphore, #tpu.memory_space<semaphore_mem>>, %arg9: memref<!tpu.dma_semaphore, #tpu.memory_space<semaphore_mem>>, %arg10: memref<!tpu.dma_semaphore, #tpu.memory_space<semaphore_mem>>) attributes {dimension_semantics = [#tpu.dimension_semantics<core_parallel>, #tpu.dimension_semantics<subcore_parallel>], iteration_bounds = array<i64: 1, 16>, scalar_prefetch = 0 : i64, scratch_operands = 6 : i64, tpu.core_type = #tpu.core_type<sc_vector_subcore>, window_params = [{transform_indices = #map}, {transform_indices = #map}, {transform_indices = #map}]} {
    %mul3A = arith.constant 1 : i32
    %mul3A_0 = arith.muli %arg1, %mul3A : i32
    %add3A = arith.addi %mul3A_0, %arg0 : i32
    %mul3A_1 = arith.constant 1024 : i32
    %mul3A_2 = arith.muli %add3A, %mul3A_1 : i32
    %dma_start3A = arith.constant 0 : i32
    %dma_start3A_3 = tpu.memref_slice %arg5[%dma_start3A] : memref<32xf32, #tpu.memory_space<vmem>> -> memref<29xf32, #tpu.memory_space<vmem>>
    %dma_start3A_4 = arith.constant 0 : i32
    %dma_start3A_5 = tpu.memref_slice %arg5[%dma_start3A_4] : memref<32xf32, #tpu.memory_space<vmem>> -> memref<29xf32, #tpu.memory_space<vmem>>
    tpu.enqueue_dma source(%arg2 : memref<29xf32, #tpu.memory_space<hbm>>) target(%dma_start3A_5 : memref<29xf32, #tpu.memory_space<vmem>>) target_semaphore(%arg8 : memref<!tpu.dma_semaphore, #tpu.memory_space<semaphore_mem>>)
    %dma_start3A_6 = tpu.memref_slice %arg3[%mul3A_2] : memref<16384xi32, #tpu.memory_space<hbm>> -> memref<1024xi32, #tpu.memory_space<hbm>>
    %dma_start3A_7 = tpu.memref_slice %arg3[%mul3A_2] : memref<16384xi32, #tpu.memory_space<hbm>> -> memref<1024xi32, #tpu.memory_space<hbm>>
    tpu.enqueue_dma source(%dma_start3A_7 : memref<1024xi32, #tpu.memory_space<hbm>>) target(%arg6 : memref<1024xi32, #tpu.memory_space<vmem>>) target_semaphore(%arg9 : memref<!tpu.dma_semaphore, #tpu.memory_space<semaphore_mem>>)
    %dma_wait3A = arith.constant 0 : i32
    %dma_wait3A_8 = tpu.memref_slice %arg5[%dma_wait3A] : memref<32xf32, #tpu.memory_space<vmem>> -> memref<29xf32, #tpu.memory_space<vmem>>
    %dma_wait3A_9 = arith.constant 0 : i32
    %dma_wait3A_10 = tpu.memref_slice %arg5[%dma_wait3A_9] : memref<32xf32, #tpu.memory_space<vmem>> -> memref<29xf32, #tpu.memory_space<vmem>>
    tpu.wait_dma2 semaphore(%arg8 : memref<!tpu.dma_semaphore, #tpu.memory_space<semaphore_mem>>) src(%arg2 : memref<29xf32, #tpu.memory_space<hbm>>) dst(%dma_wait3A_10 : memref<29xf32, #tpu.memory_space<vmem>>)
    %get3A = arith.constant 0 : index
    %get3A_11 = tpu.vector_load %arg5[%get3A] {strides = array<i32>} : memref<32xf32, #tpu.memory_space<vmem>>, vector<16xf32>,
    %add3A_12 = arith.constant 1.000000e-30 : f32
    %add3A_13 = vector.broadcast %add3A_12 : f32 to vector<16xf32>
    %add3A_14 = arith.addf %get3A_11, %add3A_13 : vector<16xf32>
    %bitcast_convert_type3A = tpu.bitcast %add3A_14 : vector<16xf32> -> vector<16xi32>
    %shift_right_arithmetic3A = arith.constant 23 : i32
    %shift_right_arithmetic3A_15 = vector.broadcast %shift_right_arithmetic3A : i32 to vector<16xi32>
    %shift_right_arithmetic3A_16 = arith.shrsi %bitcast_convert_type3A, %shift_right_arithmetic3A_15 : vector<16xi32>
    %sub3A = arith.constant 127 : i32
    %sub3A_17 = vector.broadcast %sub3A : i32 to vector<16xi32>
    %sub3A_18 = arith.subi %shift_right_arithmetic3A_16, %sub3A_17 : vector<16xi32>
    %and3A = arith.constant 8388607 : i32
    %and3A_19 = vector.broadcast %and3A : i32 to vector<16xi32>
    %and3A_20 = arith.andi %bitcast_convert_type3A, %and3A_19 : vector<16xi32>
    %or3A = arith.constant 1065353216 : i32
    %or3A_21 = vector.broadcast %or3A : i32 to vector<16xi32>
    %or3A_22 = arith.ori %and3A_20, %or3A_21 : vector<16xi32>
    %bitcast_convert_type3A_23 = tpu.bitcast %or3A_22 : vector<16xi32> -> vector<16xf32>
    %sub3A_24 = arith.constant 1.000000e+00 : f32
    %sub3A_25 = vector.broadcast %sub3A_24 : f32 to vector<16xf32>
    %sub3A_26 = arith.subf %bitcast_convert_type3A_23, %sub3A_25 : vector<16xf32>
    %mul3A_27 = arith.constant 0.0304490048 : f32
    %mul3A_28 = vector.broadcast %mul3A_27 : f32 to vector<16xf32>
    %mul3A_29 = arith.mulf %sub3A_26, %mul3A_28 : vector<16xf32>
    %add3A_30 = arith.constant -0.131581828 : f32
    %add3A_31 = vector.broadcast %add3A_30 : f32 to vector<16xf32>
    %add3A_32 = arith.addf %add3A_31, %mul3A_29 : vector<16xf32>
    %mul3A_33 = arith.mulf %sub3A_26, %add3A_32 : vector<16xf32>
    %add3A_34 = arith.constant 0.285272688 : f32
    %add3A_35 = vector.broadcast %add3A_34 : f32 to vector<16xf32>
    %add3A_36 = arith.addf %add3A_35, %mul3A_33 : vector<16xf32>
    %mul3A_37 = arith.mulf %sub3A_26, %add3A_36 : vector<16xf32>
    %add3A_38 = arith.constant -0.490230709 : f32
    %add3A_39 = vector.broadcast %add3A_38 : f32 to vector<16xf32>
    %add3A_40 = arith.addf %add3A_39, %mul3A_37 : vector<16xf32>
    %mul3A_41 = arith.mulf %sub3A_26, %add3A_40 : vector<16xf32>
    %add3A_42 = arith.constant 0.99923551 : f32
    %add3A_43 = vector.broadcast %add3A_42 : f32 to vector<16xf32>
    %add3A_44 = arith.addf %add3A_43, %mul3A_41 : vector<16xf32>
    %mul3A_45 = arith.mulf %sub3A_26, %add3A_44 : vector<16xf32>
    %add3A_46 = arith.constant 9.9750323E-6 : f32
    %add3A_47 = vector.broadcast %add3A_46 : f32 to vector<16xf32>
    %add3A_48 = arith.addf %add3A_47, %mul3A_45 : vector<16xf32>
    %convert_element_type3A = arith.sitofp %sub3A_18 : vector<16xi32> to vector<16xf32>
    %mul3A_49 = arith.constant 0.693147182 : f32
    %mul3A_50 = vector.broadcast %mul3A_49 : f32 to vector<16xf32>
    %mul3A_51 = arith.mulf %convert_element_type3A, %mul3A_50 : vector<16xf32>
    %add3A_52 = arith.addf %mul3A_51, %add3A_48 : vector<16xf32>
    %swap3A = arith.constant 0 : index
    %swap3A_53 = tpu.vector_load %arg5[%swap3A] {strides = array<i32>} : memref<32xf32, #tpu.memory_space<vmem>>, vector<16xf32>,
    tpu.vector_store %arg5[%swap3A], %add3A_52 {strides = array<i32>} : memref<32xf32, #tpu.memory_space<vmem>>, vector<16xf32>,
    %get3A_54 = arith.constant 16 : index
    %get3A_55 = tpu.vector_load %arg5[%get3A_54] {strides = array<i32>} : memref<32xf32, #tpu.memory_space<vmem>>, vector<16xf32>,
    %add3A_56 = arith.constant 1.000000e-30 : f32
    %add3A_57 = vector.broadcast %add3A_56 : f32 to vector<16xf32>
    %add3A_58 = arith.addf %get3A_55, %add3A_57 : vector<16xf32>
    %bitcast_convert_type3A_59 = tpu.bitcast %add3A_58 : vector<16xf32> -> vector<16xi32>
    %shift_right_arithmetic3A_60 = arith.constant 23 : i32
    %shift_right_arithmetic3A_61 = vector.broadcast %shift_right_arithmetic3A_60 : i32 to vector<16xi32>
    %shift_right_arithmetic3A_62 = arith.shrsi %bitcast_convert_type3A_59, %shift_right_arithmetic3A_61 : vector<16xi32>
    %sub3A_63 = arith.constant 127 : i32
    %sub3A_64 = vector.broadcast %sub3A_63 : i32 to vector<16xi32>
    %sub3A_65 = arith.subi %shift_right_arithmetic3A_62, %sub3A_64 : vector<16xi32>
    %and3A_66 = arith.constant 8388607 : i32
    %and3A_67 = vector.broadcast %and3A_66 : i32 to vector<16xi32>
    %and3A_68 = arith.andi %bitcast_convert_type3A_59, %and3A_67 : vector<16xi32>
    %or3A_69 = arith.constant 1065353216 : i32
    %or3A_70 = vector.broadcast %or3A_69 : i32 to vector<16xi32>
    %or3A_71 = arith.ori %and3A_68, %or3A_70 : vector<16xi32>
    %bitcast_convert_type3A_72 = tpu.bitcast %or3A_71 : vector<16xi32> -> vector<16xf32>
    %sub3A_73 = arith.constant 1.000000e+00 : f32
    %sub3A_74 = vector.broadcast %sub3A_73 : f32 to vector<16xf32>
    %sub3A_75 = arith.subf %bitcast_convert_type3A_72, %sub3A_74 : vector<16xf32>
    %mul3A_76 = arith.constant 0.0304490048 : f32
    %mul3A_77 = vector.broadcast %mul3A_76 : f32 to vector<16xf32>
    %mul3A_78 = arith.mulf %sub3A_75, %mul3A_77 : vector<16xf32>
    %add3A_79 = arith.constant -0.131581828 : f32
    %add3A_80 = vector.broadcast %add3A_79 : f32 to vector<16xf32>
    %add3A_81 = arith.addf %add3A_80, %mul3A_78 : vector<16xf32>
    %mul3A_82 = arith.mulf %sub3A_75, %add3A_81 : vector<16xf32>
    %add3A_83 = arith.constant 0.285272688 : f32
    %add3A_84 = vector.broadcast %add3A_83 : f32 to vector<16xf32>
    %add3A_85 = arith.addf %add3A_84, %mul3A_82 : vector<16xf32>
    %mul3A_86 = arith.mulf %sub3A_75, %add3A_85 : vector<16xf32>
    %add3A_87 = arith.constant -0.490230709 : f32
    %add3A_88 = vector.broadcast %add3A_87 : f32 to vector<16xf32>
    %add3A_89 = arith.addf %add3A_88, %mul3A_86 : vector<16xf32>
    %mul3A_90 = arith.mulf %sub3A_75, %add3A_89 : vector<16xf32>
    %add3A_91 = arith.constant 0.99923551 : f32
    %add3A_92 = vector.broadcast %add3A_91 : f32 to vector<16xf32>
    %add3A_93 = arith.addf %add3A_92, %mul3A_90 : vector<16xf32>
    %mul3A_94 = arith.mulf %sub3A_75, %add3A_93 : vector<16xf32>
    %add3A_95 = arith.constant 9.9750323E-6 : f32
    %add3A_96 = vector.broadcast %add3A_95 : f32 to vector<16xf32>
    %add3A_97 = arith.addf %add3A_96, %mul3A_94 : vector<16xf32>
    %convert_element_type3A_98 = arith.sitofp %sub3A_65 : vector<16xi32> to vector<16xf32>
    %mul3A_99 = arith.constant 0.693147182 : f32
    %mul3A_100 = vector.broadcast %mul3A_99 : f32 to vector<16xf32>
    %mul3A_101 = arith.mulf %convert_element_type3A_98, %mul3A_100 : vector<16xf32>
    %add3A_102 = arith.addf %mul3A_101, %add3A_97 : vector<16xf32>
    %swap3A_103 = arith.constant 16 : index
    %swap3A_104 = tpu.vector_load %arg5[%swap3A_103] {strides = array<i32>} : memref<32xf32, #tpu.memory_space<vmem>>, vector<16xf32>,
    tpu.vector_store %arg5[%swap3A_103], %add3A_102 {strides = array<i32>} : memref<32xf32, #tpu.memory_space<vmem>>, vector<16xf32>,
    %dma_wait3A_105 = tpu.memref_slice %arg3[%mul3A_2] : memref<16384xi32, #tpu.memory_space<hbm>> -> memref<1024xi32, #tpu.memory_space<hbm>>
    %dma_wait3A_106 = tpu.memref_slice %arg3[%mul3A_2] : memref<16384xi32, #tpu.memory_space<hbm>> -> memref<1024xi32, #tpu.memory_space<hbm>>
    tpu.wait_dma2 semaphore(%arg9 : memref<!tpu.dma_semaphore, #tpu.memory_space<semaphore_mem>>) src(%dma_wait3A_106 : memref<1024xi32, #tpu.memory_space<hbm>>) dst(%arg6 : memref<1024xi32, #tpu.memory_space<vmem>>)
    %get3A_107 = arith.constant 0 : index
    %get3A_108 = tpu.vector_load %arg6[%get3A_107] {strides = array<i32>} : memref<1024xi32, #tpu.memory_space<vmem>>, vector<16xi32>,
    %gather3A = tpu.vector_load_idx %arg5[%get3A_108] : memref<32xf32, #tpu.memory_space<vmem>>[vector<16xi32>], vector<16xf32>,
    %swap3A_109 = arith.constant 0 : index
    %swap3A_110 = tpu.vector_load %arg7[%swap3A_109] {strides = array<i32>} : memref<1024xf32, #tpu.memory_space<vmem>>, vector<16xf32>,
    tpu.vector_store %arg7[%swap3A_109], %gather3A {strides = array<i32>} : memref<1024xf32, #tpu.memory_space<vmem>>, vector<16xf32>,
    %get3A_111 = arith.constant 16 : index
    %get3A_112 = tpu.vector_load %arg6[%get3A_111] {strides = array<i32>} : memref<1024xi32, #tpu.memory_space<vmem>>, vector<16xi32>,
    %gather3A_113 = tpu.vector_load_idx %arg5[%get3A_112] : memref<32xf32, #tpu.memory_space<vmem>>[vector<16xi32>], vector<16xf32>,
    %swap3A_114 = arith.constant 16 : index
    %swap3A_115 = tpu.vector_load %arg7[%swap3A_114] {strides = array<i32>} : memref<1024xf32, #tpu.memory_space<vmem>>, vector<16xf32>,
    tpu.vector_store %arg7[%swap3A_114], %gather3A_113 {strides = array<i32>} : memref<1024xf32, #tpu.memory_space<vmem>>, vector<16xf32>,
    %get3A_116 = arith.constant 32 : index
    %get3A_117 = tpu.vector_load %arg6[%get3A_116] {strides = array<i32>} : memref<1024xi32, #tpu.memory_space<vmem>>, vector<16xi32>,
    %gather3A_118 = tpu.vector_load_idx %arg5[%get3A_117] : memref<32xf32, #tpu.memory_space<vmem>>[vector<16xi32>], vector<16xf32>,
    %swap3A_119 = arith.constant 32 : index
    %swap3A_120 = tpu.vector_load %arg7[%swap3A_119] {strides = array<i32>} : memref<1024xf32, #tpu.memory_space<vmem>>, vector<16xf32>,
    tpu.vector_store %arg7[%swap3A_119], %gather3A_118 {strides = array<i32>} : memref<1024xf32, #tpu.memory_space<vmem>>, vector<16xf32>,
    %get3A_121 = arith.constant 48 : index
    %get3A_122 = tpu.vector_load %arg6[%get3A_121] {strides = array<i32>} : memref<1024xi32, #tpu.memory_space<vmem>>, vector<16xi32>,
    %gather3A_123 = tpu.vector_load_idx %arg5[%get3A_122] : memref<32xf32, #tpu.memory_space<vmem>>[vector<16xi32>], vector<16xf32>,
    %swap3A_124 = arith.constant 48 : index
    %swap3A_125 = tpu.vector_load %arg7[%swap3A_124] {strides = array<i32>} : memref<1024xf32, #tpu.memory_space<vmem>>, vector<16xf32>,
    tpu.vector_store %arg7[%swap3A_124], %gather3A_123 {strides = array<i32>} : memref<1024xf32, #tpu.memory_space<vmem>>, vector<16xf32>,
    %get3A_126 = arith.constant 64 : index
    %get3A_127 = tpu.vector_load %arg6[%get3A_126] {strides = array<i32>} : memref<1024xi32, #tpu.memory_space<vmem>>, vector<16xi32>,
    %gather3A_128 = tpu.vector_load_idx %arg5[%get3A_127] : memref<32xf32, #tpu.memory_space<vmem>>[vector<16xi32>], vector<16xf32>,
    %swap3A_129 = arith.constant 64 : index
    %swap3A_130 = tpu.vector_load %arg7[%swap3A_129] {strides = array<i32>} : memref<1024xf32, #tpu.memory_space<vmem>>, vector<16xf32>,
    tpu.vector_store %arg7[%swap3A_129], %gather3A_128 {strides = array<i32>} : memref<1024xf32, #tpu.memory_space<vmem>>, vector<16xf32>,
    %get3A_131 = arith.constant 80 : index
    %get3A_132 = tpu.vector_load %arg6[%get3A_131] {strides = array<i32>} : memref<1024xi32, #tpu.memory_space<vmem>>, vector<16xi32>,
    %gather3A_133 = tpu.vector_load_idx %arg5[%get3A_132] : memref<32xf32, #tpu.memory_space<vmem>>[vector<16xi32>], vector<16xf32>,
    %swap3A_134 = arith.constant 80 : index
    %swap3A_135 = tpu.vector_load %arg7[%swap3A_134] {strides = array<i32>} : memref<1024xf32, #tpu.memory_space<vmem>>, vector<16xf32>,
    tpu.vector_store %arg7[%swap3A_134], %gather3A_133 {strides = array<i32>} : memref<1024xf32, #tpu.memory_space<vmem>>, vector<16xf32>,
    %get3A_136 = arith.constant 96 : index
    %get3A_137 = tpu.vector_load %arg6[%get3A_136] {strides = array<i32>} : memref<1024xi32, #tpu.memory_space<vmem>>, vector<16xi32>,
    %gather3A_138 = tpu.vector_load_idx %arg5[%get3A_137] : memref<32xf32, #tpu.memory_space<vmem>>[vector<16xi32>], vector<16xf32>,
    %swap3A_139 = arith.constant 96 : index
    %swap3A_140 = tpu.vector_load %arg7[%swap3A_139] {strides = array<i32>} : memref<1024xf32, #tpu.memory_space<vmem>>, vector<16xf32>,
    tpu.vector_store %arg7[%swap3A_139], %gather3A_138 {strides = array<i32>} : memref<1024xf32, #tpu.memory_space<vmem>>, vector<16xf32>,
    %get3A_141 = arith.constant 112 : index
    %get3A_142 = tpu.vector_load %arg6[%get3A_141] {strides = array<i32>} : memref<1024xi32, #tpu.memory_space<vmem>>, vector<16xi32>,
    %gather3A_143 = tpu.vector_load_idx %arg5[%get3A_142] : memref<32xf32, #tpu.memory_space<vmem>>[vector<16xi32>], vector<16xf32>,
    %swap3A_144 = arith.constant 112 : index
    %swap3A_145 = tpu.vector_load %arg7[%swap3A_144] {strides = array<i32>} : memref<1024xf32, #tpu.memory_space<vmem>>, vector<16xf32>,
    tpu.vector_store %arg7[%swap3A_144], %gather3A_143 {strides = array<i32>} : memref<1024xf32, #tpu.memory_space<vmem>>, vector<16xf32>,
    %get3A_146 = arith.constant 128 : index
    %get3A_147 = tpu.vector_load %arg6[%get3A_146] {strides = array<i32>} : memref<1024xi32, #tpu.memory_space<vmem>>, vector<16xi32>,
    %gather3A_148 = tpu.vector_load_idx %arg5[%get3A_147] : memref<32xf32, #tpu.memory_space<vmem>>[vector<16xi32>], vector<16xf32>,
    %swap3A_149 = arith.constant 128 : index
    %swap3A_150 = tpu.vector_load %arg7[%swap3A_149] {strides = array<i32>} : memref<1024xf32, #tpu.memory_space<vmem>>, vector<16xf32>,
    tpu.vector_store %arg7[%swap3A_149], %gather3A_148 {strides = array<i32>} : memref<1024xf32, #tpu.memory_space<vmem>>, vector<16xf32>,
    %get3A_151 = arith.constant 144 : index
    %get3A_152 = tpu.vector_load %arg6[%get3A_151] {strides = array<i32>} : memref<1024xi32, #tpu.memory_space<vmem>>, vector<16xi32>,
    %gather3A_153 = tpu.vector_load_idx %arg5[%get3A_152] : memref<32xf32, #tpu.memory_space<vmem>>[vector<16xi32>], vector<16xf32>,
    %swap3A_154 = arith.constant 144 : index
    %swap3A_155 = tpu.vector_load %arg7[%swap3A_154] {strides = array<i32>} : memref<1024xf32, #tpu.memory_space<vmem>>, vector<16xf32>,
    tpu.vector_store %arg7[%swap3A_154], %gather3A_153 {strides = array<i32>} : memref<1024xf32, #tpu.memory_space<vmem>>, vector<16xf32>,
    %get3A_156 = arith.constant 160 : index
    %get3A_157 = tpu.vector_load %arg6[%get3A_156] {strides = array<i32>} : memref<1024xi32, #tpu.memory_space<vmem>>, vector<16xi32>,
    %gather3A_158 = tpu.vector_load_idx %arg5[%get3A_157] : memref<32xf32, #tpu.memory_space<vmem>>[vector<16xi32>], vector<16xf32>,
    %swap3A_159 = arith.constant 160 : index
    %swap3A_160 = tpu.vector_load %arg7[%swap3A_159] {strides = array<i32>} : memref<1024xf32, #tpu.memory_space<vmem>>, vector<16xf32>,
    tpu.vector_store %arg7[%swap3A_159], %gather3A_158 {strides = array<i32>} : memref<1024xf32, #tpu.memory_space<vmem>>, vector<16xf32>,
    %get3A_161 = arith.constant 176 : index
    %get3A_162 = tpu.vector_load %arg6[%get3A_161] {strides = array<i32>} : memref<1024xi32, #tpu.memory_space<vmem>>, vector<16xi32>,
    %gather3A_163 = tpu.vector_load_idx %arg5[%get3A_162] : memref<32xf32, #tpu.memory_space<vmem>>[vector<16xi32>], vector<16xf32>,
    %swap3A_164 = arith.constant 176 : index
    %swap3A_165 = tpu.vector_load %arg7[%swap3A_164] {strides = array<i32>} : memref<1024xf32, #tpu.memory_space<vmem>>, vector<16xf32>,
    tpu.vector_store %arg7[%swap3A_164], %gather3A_163 {strides = array<i32>} : memref<1024xf32, #tpu.memory_space<vmem>>, vector<16xf32>,
    %get3A_166 = arith.constant 192 : index
    %get3A_167 = tpu.vector_load %arg6[%get3A_166] {strides = array<i32>} : memref<1024xi32, #tpu.memory_space<vmem>>, vector<16xi32>,
    %gather3A_168 = tpu.vector_load_idx %arg5[%get3A_167] : memref<32xf32, #tpu.memory_space<vmem>>[vector<16xi32>], vector<16xf32>,
    %swap3A_169 = arith.constant 192 : index
    %swap3A_170 = tpu.vector_load %arg7[%swap3A_169] {strides = array<i32>} : memref<1024xf32, #tpu.memory_space<vmem>>, vector<16xf32>,
    tpu.vector_store %arg7[%swap3A_169], %gather3A_168 {strides = array<i32>} : memref<1024xf32, #tpu.memory_space<vmem>>, vector<16xf32>,
    %get3A_171 = arith.constant 208 : index
    %get3A_172 = tpu.vector_load %arg6[%get3A_171] {strides = array<i32>} : memref<1024xi32, #tpu.memory_space<vmem>>, vector<16xi32>,
    %gather3A_173 = tpu.vector_load_idx %arg5[%get3A_172] : memref<32xf32, #tpu.memory_space<vmem>>[vector<16xi32>], vector<16xf32>,
    %swap3A_174 = arith.constant 208 : index
    %swap3A_175 = tpu.vector_load %arg7[%swap3A_174] {strides = array<i32>} : memref<1024xf32, #tpu.memory_space<vmem>>, vector<16xf32>,
    tpu.vector_store %arg7[%swap3A_174], %gather3A_173 {strides = array<i32>} : memref<1024xf32, #tpu.memory_space<vmem>>, vector<16xf32>,
    %get3A_176 = arith.constant 224 : index
    %get3A_177 = tpu.vector_load %arg6[%get3A_176] {strides = array<i32>} : memref<1024xi32, #tpu.memory_space<vmem>>, vector<16xi32>,
    %gather3A_178 = tpu.vector_load_idx %arg5[%get3A_177] : memref<32xf32, #tpu.memory_space<vmem>>[vector<16xi32>], vector<16xf32>,
    %swap3A_179 = arith.constant 224 : index
    %swap3A_180 = tpu.vector_load %arg7[%swap3A_179] {strides = array<i32>} : memref<1024xf32, #tpu.memory_space<vmem>>, vector<16xf32>,
    tpu.vector_store %arg7[%swap3A_179], %gather3A_178 {strides = array<i32>} : memref<1024xf32, #tpu.memory_space<vmem>>, vector<16xf32>,
    %get3A_181 = arith.constant 240 : index
    %get3A_182 = tpu.vector_load %arg6[%get3A_181] {strides = array<i32>} : memref<1024xi32, #tpu.memory_space<vmem>>, vector<16xi32>,
    %gather3A_183 = tpu.vector_load_idx %arg5[%get3A_182] : memref<32xf32, #tpu.memory_space<vmem>>[vector<16xi32>], vector<16xf32>,
    %swap3A_184 = arith.constant 240 : index
    %swap3A_185 = tpu.vector_load %arg7[%swap3A_184] {strides = array<i32>} : memref<1024xf32, #tpu.memory_space<vmem>>, vector<16xf32>,
    tpu.vector_store %arg7[%swap3A_184], %gather3A_183 {strides = array<i32>} : memref<1024xf32, #tpu.memory_space<vmem>>, vector<16xf32>,
    %add3A_186 = arith.constant 0 : i32
    %add3A_187 = arith.addi %mul3A_2, %add3A_186 : i32
    %dma_start3A_188 = arith.constant 0 : i32
    %dma_start3A_189 = tpu.memref_slice %arg7[%dma_start3A_188] : memref<1024xf32, #tpu.memory_space<vmem>> -> memref<256xf32, #tpu.memory_space<vmem>>
    %dma_start3A_190 = tpu.memref_slice %arg4[%add3A_187] : memref<16384xf32, #tpu.memory_space<hbm>> -> memref<256xf32, #tpu.memory_space<hbm>>
    %dma_start3A_191 = tpu.memref_slice %arg4[%add3A_187] : memref<16384xf32, #tpu.memory_space<hbm>> -> memref<256xf32, #tpu.memory_space<hbm>>
    %dma_start3A_192 = arith.constant 0 : i32
    %dma_start3A_193 = tpu.memref_slice %arg7[%dma_start3A_192] : memref<1024xf32, #tpu.memory_space<vmem>> -> memref<256xf32, #tpu.memory_space<vmem>>
    tpu.enqueue_dma source(%dma_start3A_193 : memref<256xf32, #tpu.memory_space<vmem>>) target(%dma_start3A_191 : memref<256xf32, #tpu.memory_space<hbm>>) target_semaphore(%arg10 : memref<!tpu.dma_semaphore, #tpu.memory_space<semaphore_mem>>)
    %get3A_194 = arith.constant 256 : index
    %get3A_195 = tpu.vector_load %arg6[%get3A_194] {strides = array<i32>} : memref<1024xi32, #tpu.memory_space<vmem>>, vector<16xi32>,
    %gather3A_196 = tpu.vector_load_idx %arg5[%get3A_195] : memref<32xf32, #tpu.memory_space<vmem>>[vector<16xi32>], vector<16xf32>,
    %swap3A_197 = arith.constant 256 : index
    %swap3A_198 = tpu.vector_load %arg7[%swap3A_197] {strides = array<i32>} : memref<1024xf32, #tpu.memory_space<vmem>>, vector<16xf32>,
    tpu.vector_store %arg7[%swap3A_197], %gather3A_196 {strides = array<i32>} : memref<1024xf32, #tpu.memory_space<vmem>>, vector<16xf32>,
    %get3A_199 = arith.constant 272 : index
    %get3A_200 = tpu.vector_load %arg6[%get3A_199] {strides = array<i32>} : memref<1024xi32, #tpu.memory_space<vmem>>, vector<16xi32>,
    %gather3A_201 = tpu.vector_load_idx %arg5[%get3A_200] : memref<32xf32, #tpu.memory_space<vmem>>[vector<16xi32>], vector<16xf32>,
    %swap3A_202 = arith.constant 272 : index
    %swap3A_203 = tpu.vector_load %arg7[%swap3A_202] {strides = array<i32>} : memref<1024xf32, #tpu.memory_space<vmem>>, vector<16xf32>,
    tpu.vector_store %arg7[%swap3A_202], %gather3A_201 {strides = array<i32>} : memref<1024xf32, #tpu.memory_space<vmem>>, vector<16xf32>,
    %get3A_204 = arith.constant 288 : index
    %get3A_205 = tpu.vector_load %arg6[%get3A_204] {strides = array<i32>} : memref<1024xi32, #tpu.memory_space<vmem>>, vector<16xi32>,
    %gather3A_206 = tpu.vector_load_idx %arg5[%get3A_205] : memref<32xf32, #tpu.memory_space<vmem>>[vector<16xi32>], vector<16xf32>,
    %swap3A_207 = arith.constant 288 : index
    %swap3A_208 = tpu.vector_load %arg7[%swap3A_207] {strides = array<i32>} : memref<1024xf32, #tpu.memory_space<vmem>>, vector<16xf32>,
    tpu.vector_store %arg7[%swap3A_207], %gather3A_206 {strides = array<i32>} : memref<1024xf32, #tpu.memory_space<vmem>>, vector<16xf32>,
    %get3A_209 = arith.constant 304 : index
    %get3A_210 = tpu.vector_load %arg6[%get3A_209] {strides = array<i32>} : memref<1024xi32, #tpu.memory_space<vmem>>, vector<16xi32>,
    %gather3A_211 = tpu.vector_load_idx %arg5[%get3A_210] : memref<32xf32, #tpu.memory_space<vmem>>[vector<16xi32>], vector<16xf32>,
    %swap3A_212 = arith.constant 304 : index
    %swap3A_213 = tpu.vector_load %arg7[%swap3A_212] {strides = array<i32>} : memref<1024xf32, #tpu.memory_space<vmem>>, vector<16xf32>,
    tpu.vector_store %arg7[%swap3A_212], %gather3A_211 {strides = array<i32>} : memref<1024xf32, #tpu.memory_space<vmem>>, vector<16xf32>,
    %get3A_214 = arith.constant 320 : index
    %get3A_215 = tpu.vector_load %arg6[%get3A_214] {strides = array<i32>} : memref<1024xi32, #tpu.memory_space<vmem>>, vector<16xi32>,
    %gather3A_216 = tpu.vector_load_idx %arg5[%get3A_215] : memref<32xf32, #tpu.memory_space<vmem>>[vector<16xi32>], vector<16xf32>,
    %swap3A_217 = arith.constant 320 : index
    %swap3A_218 = tpu.vector_load %arg7[%swap3A_217] {strides = array<i32>} : memref<1024xf32, #tpu.memory_space<vmem>>, vector<16xf32>,
    tpu.vector_store %arg7[%swap3A_217], %gather3A_216 {strides = array<i32>} : memref<1024xf32, #tpu.memory_space<vmem>>, vector<16xf32>,
    %get3A_219 = arith.constant 336 : index
    %get3A_220 = tpu.vector_load %arg6[%get3A_219] {strides = array<i32>} : memref<1024xi32, #tpu.memory_space<vmem>>, vector<16xi32>,
    %gather3A_221 = tpu.vector_load_idx %arg5[%get3A_220] : memref<32xf32, #tpu.memory_space<vmem>>[vector<16xi32>], vector<16xf32>,
    %swap3A_222 = arith.constant 336 : index
    %swap3A_223 = tpu.vector_load %arg7[%swap3A_222] {strides = array<i32>} : memref<1024xf32, #tpu.memory_space<vmem>>, vector<16xf32>,
    tpu.vector_store %arg7[%swap3A_222], %gather3A_221 {strides = array<i32>} : memref<1024xf32, #tpu.memory_space<vmem>>, vector<16xf32>,
    %get3A_224 = arith.constant 352 : index
    %get3A_225 = tpu.vector_load %arg6[%get3A_224] {strides = array<i32>} : memref<1024xi32, #tpu.memory_space<vmem>>, vector<16xi32>,
    %gather3A_226 = tpu.vector_load_idx %arg5[%get3A_225] : memref<32xf32, #tpu.memory_space<vmem>>[vector<16xi32>], vector<16xf32>,
    %swap3A_227 = arith.constant 352 : index
    %swap3A_228 = tpu.vector_load %arg7[%swap3A_227] {strides = array<i32>} : memref<1024xf32, #tpu.memory_space<vmem>>, vector<16xf32>,
    tpu.vector_store %arg7[%swap3A_227], %gather3A_226 {strides = array<i32>} : memref<1024xf32, #tpu.memory_space<vmem>>, vector<16xf32>,
    %get3A_229 = arith.constant 368 : index
    %get3A_230 = tpu.vector_load %arg6[%get3A_229] {strides = array<i32>} : memref<1024xi32, #tpu.memory_space<vmem>>, vector<16xi32>,
    %gather3A_231 = tpu.vector_load_idx %arg5[%get3A_230] : memref<32xf32, #tpu.memory_space<vmem>>[vector<16xi32>], vector<16xf32>,
    %swap3A_232 = arith.constant 368 : index
    %swap3A_233 = tpu.vector_load %arg7[%swap3A_232] {strides = array<i32>} : memref<1024xf32, #tpu.memory_space<vmem>>, vector<16xf32>,
    tpu.vector_store %arg7[%swap3A_232], %gather3A_231 {strides = array<i32>} : memref<1024xf32, #tpu.memory_space<vmem>>, vector<16xf32>,
    %get3A_234 = arith.constant 384 : index
    %get3A_235 = tpu.vector_load %arg6[%get3A_234] {strides = array<i32>} : memref<1024xi32, #tpu.memory_space<vmem>>, vector<16xi32>,
    %gather3A_236 = tpu.vector_load_idx %arg5[%get3A_235] : memref<32xf32, #tpu.memory_space<vmem>>[vector<16xi32>], vector<16xf32>,
    %swap3A_237 = arith.constant 384 : index
    %swap3A_238 = tpu.vector_load %arg7[%swap3A_237] {strides = array<i32>} : memref<1024xf32, #tpu.memory_space<vmem>>, vector<16xf32>,
    tpu.vector_store %arg7[%swap3A_237], %gather3A_236 {strides = array<i32>} : memref<1024xf32, #tpu.memory_space<vmem>>, vector<16xf32>,
    %get3A_239 = arith.constant 400 : index
    %get3A_240 = tpu.vector_load %arg6[%get3A_239] {strides = array<i32>} : memref<1024xi32, #tpu.memory_space<vmem>>, vector<16xi32>,
    %gather3A_241 = tpu.vector_load_idx %arg5[%get3A_240] : memref<32xf32, #tpu.memory_space<vmem>>[vector<16xi32>], vector<16xf32>,
    %swap3A_242 = arith.constant 400 : index
    %swap3A_243 = tpu.vector_load %arg7[%swap3A_242] {strides = array<i32>} : memref<1024xf32, #tpu.memory_space<vmem>>, vector<16xf32>,
    tpu.vector_store %arg7[%swap3A_242], %gather3A_241 {strides = array<i32>} : memref<1024xf32, #tpu.memory_space<vmem>>, vector<16xf32>,
    %get3A_244 = arith.constant 416 : index
    %get3A_245 = tpu.vector_load %arg6[%get3A_244] {strides = array<i32>} : memref<1024xi32, #tpu.memory_space<vmem>>, vector<16xi32>,
    %gather3A_246 = tpu.vector_load_idx %arg5[%get3A_245] : memref<32xf32, #tpu.memory_space<vmem>>[vector<16xi32>], vector<16xf32>,
    %swap3A_247 = arith.constant 416 : index
    %swap3A_248 = tpu.vector_load %arg7[%swap3A_247] {strides = array<i32>} : memref<1024xf32, #tpu.memory_space<vmem>>, vector<16xf32>,
    tpu.vector_store %arg7[%swap3A_247], %gather3A_246 {strides = array<i32>} : memref<1024xf32, #tpu.memory_space<vmem>>, vector<16xf32>,
    %get3A_249 = arith.constant 432 : index
    %get3A_250 = tpu.vector_load %arg6[%get3A_249] {strides = array<i32>} : memref<1024xi32, #tpu.memory_space<vmem>>, vector<16xi32>,
    %gather3A_251 = tpu.vector_load_idx %arg5[%get3A_250] : memref<32xf32, #tpu.memory_space<vmem>>[vector<16xi32>], vector<16xf32>,
    %swap3A_252 = arith.constant 432 : index
    %swap3A_253 = tpu.vector_load %arg7[%swap3A_252] {strides = array<i32>} : memref<1024xf32, #tpu.memory_space<vmem>>, vector<16xf32>,
    tpu.vector_store %arg7[%swap3A_252], %gather3A_251 {strides = array<i32>} : memref<1024xf32, #tpu.memory_space<vmem>>, vector<16xf32>,
    %get3A_254 = arith.constant 448 : index
    %get3A_255 = tpu.vector_load %arg6[%get3A_254] {strides = array<i32>} : memref<1024xi32, #tpu.memory_space<vmem>>, vector<16xi32>,
    %gather3A_256 = tpu.vector_load_idx %arg5[%get3A_255] : memref<32xf32, #tpu.memory_space<vmem>>[vector<16xi32>], vector<16xf32>,
    %swap3A_257 = arith.constant 448 : index
    %swap3A_258 = tpu.vector_load %arg7[%swap3A_257] {strides = array<i32>} : memref<1024xf32, #tpu.memory_space<vmem>>, vector<16xf32>,
    tpu.vector_store %arg7[%swap3A_257], %gather3A_256 {strides = array<i32>} : memref<1024xf32, #tpu.memory_space<vmem>>, vector<16xf32>,
    %get3A_259 = arith.constant 464 : index
    %get3A_260 = tpu.vector_load %arg6[%get3A_259] {strides = array<i32>} : memref<1024xi32, #tpu.memory_space<vmem>>, vector<16xi32>,
    %gather3A_261 = tpu.vector_load_idx %arg5[%get3A_260] : memref<32xf32, #tpu.memory_space<vmem>>[vector<16xi32>], vector<16xf32>,
    %swap3A_262 = arith.constant 464 : index
    %swap3A_263 = tpu.vector_load %arg7[%swap3A_262] {strides = array<i32>} : memref<1024xf32, #tpu.memory_space<vmem>>, vector<16xf32>,
    tpu.vector_store %arg7[%swap3A_262], %gather3A_261 {strides = array<i32>} : memref<1024xf32, #tpu.memory_space<vmem>>, vector<16xf32>,
    %get3A_264 = arith.constant 480 : index
    %get3A_265 = tpu.vector_load %arg6[%get3A_264] {strides = array<i32>} : memref<1024xi32, #tpu.memory_space<vmem>>, vector<16xi32>,
    %gather3A_266 = tpu.vector_load_idx %arg5[%get3A_265] : memref<32xf32, #tpu.memory_space<vmem>>[vector<16xi32>], vector<16xf32>,
    %swap3A_267 = arith.constant 480 : index
    %swap3A_268 = tpu.vector_load %arg7[%swap3A_267] {strides = array<i32>} : memref<1024xf32, #tpu.memory_space<vmem>>, vector<16xf32>,
    tpu.vector_store %arg7[%swap3A_267], %gather3A_266 {strides = array<i32>} : memref<1024xf32, #tpu.memory_space<vmem>>, vector<16xf32>,
    %get3A_269 = arith.constant 496 : index
    %get3A_270 = tpu.vector_load %arg6[%get3A_269] {strides = array<i32>} : memref<1024xi32, #tpu.memory_space<vmem>>, vector<16xi32>,
    %gather3A_271 = tpu.vector_load_idx %arg5[%get3A_270] : memref<32xf32, #tpu.memory_space<vmem>>[vector<16xi32>], vector<16xf32>,
    %swap3A_272 = arith.constant 496 : index
    %swap3A_273 = tpu.vector_load %arg7[%swap3A_272] {strides = array<i32>} : memref<1024xf32, #tpu.memory_space<vmem>>, vector<16xf32>,
    tpu.vector_store %arg7[%swap3A_272], %gather3A_271 {strides = array<i32>} : memref<1024xf32, #tpu.memory_space<vmem>>, vector<16xf32>,
    %add3A_274 = arith.constant 256 : i32
    %add3A_275 = arith.addi %mul3A_2, %add3A_274 : i32
    %dma_start3A_276 = arith.constant 256 : i32
    %dma_start3A_277 = tpu.memref_slice %arg7[%dma_start3A_276] : memref<1024xf32, #tpu.memory_space<vmem>> -> memref<256xf32, #tpu.memory_space<vmem>>
    %dma_start3A_278 = tpu.memref_slice %arg4[%add3A_275] : memref<16384xf32, #tpu.memory_space<hbm>> -> memref<256xf32, #tpu.memory_space<hbm>>
    %dma_start3A_279 = tpu.memref_slice %arg4[%add3A_275] : memref<16384xf32, #tpu.memory_space<hbm>> -> memref<256xf32, #tpu.memory_space<hbm>>
    %dma_start3A_280 = arith.constant 256 : i32
    %dma_start3A_281 = tpu.memref_slice %arg7[%dma_start3A_280] : memref<1024xf32, #tpu.memory_space<vmem>> -> memref<256xf32, #tpu.memory_space<vmem>>
    tpu.enqueue_dma source(%dma_start3A_281 : memref<256xf32, #tpu.memory_space<vmem>>) target(%dma_start3A_279 : memref<256xf32, #tpu.memory_space<hbm>>) target_semaphore(%arg10 : memref<!tpu.dma_semaphore, #tpu.memory_space<semaphore_mem>>)
    %get3A_282 = arith.constant 512 : index
    %get3A_283 = tpu.vector_load %arg6[%get3A_282] {strides = array<i32>} : memref<1024xi32, #tpu.memory_space<vmem>>, vector<16xi32>,
    %gather3A_284 = tpu.vector_load_idx %arg5[%get3A_283] : memref<32xf32, #tpu.memory_space<vmem>>[vector<16xi32>], vector<16xf32>,
    %swap3A_285 = arith.constant 512 : index
    %swap3A_286 = tpu.vector_load %arg7[%swap3A_285] {strides = array<i32>} : memref<1024xf32, #tpu.memory_space<vmem>>, vector<16xf32>,
    tpu.vector_store %arg7[%swap3A_285], %gather3A_284 {strides = array<i32>} : memref<1024xf32, #tpu.memory_space<vmem>>, vector<16xf32>,
    %get3A_287 = arith.constant 528 : index
    %get3A_288 = tpu.vector_load %arg6[%get3A_287] {strides = array<i32>} : memref<1024xi32, #tpu.memory_space<vmem>>, vector<16xi32>,
    %gather3A_289 = tpu.vector_load_idx %arg5[%get3A_288] : memref<32xf32, #tpu.memory_space<vmem>>[vector<16xi32>], vector<16xf32>,
    %swap3A_290 = arith.constant 528 : index
    %swap3A_291 = tpu.vector_load %arg7[%swap3A_290] {strides = array<i32>} : memref<1024xf32, #tpu.memory_space<vmem>>, vector<16xf32>,
    tpu.vector_store %arg7[%swap3A_290], %gather3A_289 {strides = array<i32>} : memref<1024xf32, #tpu.memory_space<vmem>>, vector<16xf32>,
    %get3A_292 = arith.constant 544 : index
    %get3A_293 = tpu.vector_load %arg6[%get3A_292] {strides = array<i32>} : memref<1024xi32, #tpu.memory_space<vmem>>, vector<16xi32>,
    %gather3A_294 = tpu.vector_load_idx %arg5[%get3A_293] : memref<32xf32, #tpu.memory_space<vmem>>[vector<16xi32>], vector<16xf32>,
    %swap3A_295 = arith.constant 544 : index
    %swap3A_296 = tpu.vector_load %arg7[%swap3A_295] {strides = array<i32>} : memref<1024xf32, #tpu.memory_space<vmem>>, vector<16xf32>,
    tpu.vector_store %arg7[%swap3A_295], %gather3A_294 {strides = array<i32>} : memref<1024xf32, #tpu.memory_space<vmem>>, vector<16xf32>,
    %get3A_297 = arith.constant 560 : index
    %get3A_298 = tpu.vector_load %arg6[%get3A_297] {strides = array<i32>} : memref<1024xi32, #tpu.memory_space<vmem>>, vector<16xi32>,
    %gather3A_299 = tpu.vector_load_idx %arg5[%get3A_298] : memref<32xf32, #tpu.memory_space<vmem>>[vector<16xi32>], vector<16xf32>,
    %swap3A_300 = arith.constant 560 : index
    %swap3A_301 = tpu.vector_load %arg7[%swap3A_300] {strides = array<i32>} : memref<1024xf32, #tpu.memory_space<vmem>>, vector<16xf32>,
    tpu.vector_store %arg7[%swap3A_300], %gather3A_299 {strides = array<i32>} : memref<1024xf32, #tpu.memory_space<vmem>>, vector<16xf32>,
    %get3A_302 = arith.constant 576 : index
    %get3A_303 = tpu.vector_load %arg6[%get3A_302] {strides = array<i32>} : memref<1024xi32, #tpu.memory_space<vmem>>, vector<16xi32>,
    %gather3A_304 = tpu.vector_load_idx %arg5[%get3A_303] : memref<32xf32, #tpu.memory_space<vmem>>[vector<16xi32>], vector<16xf32>,
    %swap3A_305 = arith.constant 576 : index
    %swap3A_306 = tpu.vector_load %arg7[%swap3A_305] {strides = array<i32>} : memref<1024xf32, #tpu.memory_space<vmem>>, vector<16xf32>,
    tpu.vector_store %arg7[%swap3A_305], %gather3A_304 {strides = array<i32>} : memref<1024xf32, #tpu.memory_space<vmem>>, vector<16xf32>,
    %get3A_307 = arith.constant 592 : index
    %get3A_308 = tpu.vector_load %arg6[%get3A_307] {strides = array<i32>} : memref<1024xi32, #tpu.memory_space<vmem>>, vector<16xi32>,
    %gather3A_309 = tpu.vector_load_idx %arg5[%get3A_308] : memref<32xf32, #tpu.memory_space<vmem>>[vector<16xi32>], vector<16xf32>,
    %swap3A_310 = arith.constant 592 : index
    %swap3A_311 = tpu.vector_load %arg7[%swap3A_310] {strides = array<i32>} : memref<1024xf32, #tpu.memory_space<vmem>>, vector<16xf32>,
    tpu.vector_store %arg7[%swap3A_310], %gather3A_309 {strides = array<i32>} : memref<1024xf32, #tpu.memory_space<vmem>>, vector<16xf32>,
    %get3A_312 = arith.constant 608 : index
    %get3A_313 = tpu.vector_load %arg6[%get3A_312] {strides = array<i32>} : memref<1024xi32, #tpu.memory_space<vmem>>, vector<16xi32>,
    %gather3A_314 = tpu.vector_load_idx %arg5[%get3A_313] : memref<32xf32, #tpu.memory_space<vmem>>[vector<16xi32>], vector<16xf32>,
    %swap3A_315 = arith.constant 608 : index
    %swap3A_316 = tpu.vector_load %arg7[%swap3A_315] {strides = array<i32>} : memref<1024xf32, #tpu.memory_space<vmem>>, vector<16xf32>,
    tpu.vector_store %arg7[%swap3A_315], %gather3A_314 {strides = array<i32>} : memref<1024xf32, #tpu.memory_space<vmem>>, vector<16xf32>,
    %get3A_317 = arith.constant 624 : index
    %get3A_318 = tpu.vector_load %arg6[%get3A_317] {strides = array<i32>} : memref<1024xi32, #tpu.memory_space<vmem>>, vector<16xi32>,
    %gather3A_319 = tpu.vector_load_idx %arg5[%get3A_318] : memref<32xf32, #tpu.memory_space<vmem>>[vector<16xi32>], vector<16xf32>,
    %swap3A_320 = arith.constant 624 : index
    %swap3A_321 = tpu.vector_load %arg7[%swap3A_320] {strides = array<i32>} : memref<1024xf32, #tpu.memory_space<vmem>>, vector<16xf32>,
    tpu.vector_store %arg7[%swap3A_320], %gather3A_319 {strides = array<i32>} : memref<1024xf32, #tpu.memory_space<vmem>>, vector<16xf32>,
    %get3A_322 = arith.constant 640 : index
    %get3A_323 = tpu.vector_load %arg6[%get3A_322] {strides = array<i32>} : memref<1024xi32, #tpu.memory_space<vmem>>, vector<16xi32>,
    %gather3A_324 = tpu.vector_load_idx %arg5[%get3A_323] : memref<32xf32, #tpu.memory_space<vmem>>[vector<16xi32>], vector<16xf32>,
    %swap3A_325 = arith.constant 640 : index
    %swap3A_326 = tpu.vector_load %arg7[%swap3A_325] {strides = array<i32>} : memref<1024xf32, #tpu.memory_space<vmem>>, vector<16xf32>,
    tpu.vector_store %arg7[%swap3A_325], %gather3A_324 {strides = array<i32>} : memref<1024xf32, #tpu.memory_space<vmem>>, vector<16xf32>,
    %get3A_327 = arith.constant 656 : index
    %get3A_328 = tpu.vector_load %arg6[%get3A_327] {strides = array<i32>} : memref<1024xi32, #tpu.memory_space<vmem>>, vector<16xi32>,
    %gather3A_329 = tpu.vector_load_idx %arg5[%get3A_328] : memref<32xf32, #tpu.memory_space<vmem>>[vector<16xi32>], vector<16xf32>,
    %swap3A_330 = arith.constant 656 : index
    %swap3A_331 = tpu.vector_load %arg7[%swap3A_330] {strides = array<i32>} : memref<1024xf32, #tpu.memory_space<vmem>>, vector<16xf32>,
    tpu.vector_store %arg7[%swap3A_330], %gather3A_329 {strides = array<i32>} : memref<1024xf32, #tpu.memory_space<vmem>>, vector<16xf32>,
    %get3A_332 = arith.constant 672 : index
    %get3A_333 = tpu.vector_load %arg6[%get3A_332] {strides = array<i32>} : memref<1024xi32, #tpu.memory_space<vmem>>, vector<16xi32>,
    %gather3A_334 = tpu.vector_load_idx %arg5[%get3A_333] : memref<32xf32, #tpu.memory_space<vmem>>[vector<16xi32>], vector<16xf32>,
    %swap3A_335 = arith.constant 672 : index
    %swap3A_336 = tpu.vector_load %arg7[%swap3A_335] {strides = array<i32>} : memref<1024xf32, #tpu.memory_space<vmem>>, vector<16xf32>,
    tpu.vector_store %arg7[%swap3A_335], %gather3A_334 {strides = array<i32>} : memref<1024xf32, #tpu.memory_space<vmem>>, vector<16xf32>,
    %get3A_337 = arith.constant 688 : index
    %get3A_338 = tpu.vector_load %arg6[%get3A_337] {strides = array<i32>} : memref<1024xi32, #tpu.memory_space<vmem>>, vector<16xi32>,
    %gather3A_339 = tpu.vector_load_idx %arg5[%get3A_338] : memref<32xf32, #tpu.memory_space<vmem>>[vector<16xi32>], vector<16xf32>,
    %swap3A_340 = arith.constant 688 : index
    %swap3A_341 = tpu.vector_load %arg7[%swap3A_340] {strides = array<i32>} : memref<1024xf32, #tpu.memory_space<vmem>>, vector<16xf32>,
    tpu.vector_store %arg7[%swap3A_340], %gather3A_339 {strides = array<i32>} : memref<1024xf32, #tpu.memory_space<vmem>>, vector<16xf32>,
    %get3A_342 = arith.constant 704 : index
    %get3A_343 = tpu.vector_load %arg6[%get3A_342] {strides = array<i32>} : memref<1024xi32, #tpu.memory_space<vmem>>, vector<16xi32>,
    %gather3A_344 = tpu.vector_load_idx %arg5[%get3A_343] : memref<32xf32, #tpu.memory_space<vmem>>[vector<16xi32>], vector<16xf32>,
    %swap3A_345 = arith.constant 704 : index
    %swap3A_346 = tpu.vector_load %arg7[%swap3A_345] {strides = array<i32>} : memref<1024xf32, #tpu.memory_space<vmem>>, vector<16xf32>,
    tpu.vector_store %arg7[%swap3A_345], %gather3A_344 {strides = array<i32>} : memref<1024xf32, #tpu.memory_space<vmem>>, vector<16xf32>,
    %get3A_347 = arith.constant 720 : index
    %get3A_348 = tpu.vector_load %arg6[%get3A_347] {strides = array<i32>} : memref<1024xi32, #tpu.memory_space<vmem>>, vector<16xi32>,
    %gather3A_349 = tpu.vector_load_idx %arg5[%get3A_348] : memref<32xf32, #tpu.memory_space<vmem>>[vector<16xi32>], vector<16xf32>,
    %swap3A_350 = arith.constant 720 : index
    %swap3A_351 = tpu.vector_load %arg7[%swap3A_350] {strides = array<i32>} : memref<1024xf32, #tpu.memory_space<vmem>>, vector<16xf32>,
    tpu.vector_store %arg7[%swap3A_350], %gather3A_349 {strides = array<i32>} : memref<1024xf32, #tpu.memory_space<vmem>>, vector<16xf32>,
    %get3A_352 = arith.constant 736 : index
    %get3A_353 = tpu.vector_load %arg6[%get3A_352] {strides = array<i32>} : memref<1024xi32, #tpu.memory_space<vmem>>, vector<16xi32>,
    %gather3A_354 = tpu.vector_load_idx %arg5[%get3A_353] : memref<32xf32, #tpu.memory_space<vmem>>[vector<16xi32>], vector<16xf32>,
    %swap3A_355 = arith.constant 736 : index
    %swap3A_356 = tpu.vector_load %arg7[%swap3A_355] {strides = array<i32>} : memref<1024xf32, #tpu.memory_space<vmem>>, vector<16xf32>,
    tpu.vector_store %arg7[%swap3A_355], %gather3A_354 {strides = array<i32>} : memref<1024xf32, #tpu.memory_space<vmem>>, vector<16xf32>,
    %get3A_357 = arith.constant 752 : index
    %get3A_358 = tpu.vector_load %arg6[%get3A_357] {strides = array<i32>} : memref<1024xi32, #tpu.memory_space<vmem>>, vector<16xi32>,
    %gather3A_359 = tpu.vector_load_idx %arg5[%get3A_358] : memref<32xf32, #tpu.memory_space<vmem>>[vector<16xi32>], vector<16xf32>,
    %swap3A_360 = arith.constant 752 : index
    %swap3A_361 = tpu.vector_load %arg7[%swap3A_360] {strides = array<i32>} : memref<1024xf32, #tpu.memory_space<vmem>>, vector<16xf32>,
    tpu.vector_store %arg7[%swap3A_360], %gather3A_359 {strides = array<i32>} : memref<1024xf32, #tpu.memory_space<vmem>>, vector<16xf32>,
    %add3A_362 = arith.constant 512 : i32
    %add3A_363 = arith.addi %mul3A_2, %add3A_362 : i32
    %dma_start3A_364 = arith.constant 512 : i32
    %dma_start3A_365 = tpu.memref_slice %arg7[%dma_start3A_364] : memref<1024xf32, #tpu.memory_space<vmem>> -> memref<256xf32, #tpu.memory_space<vmem>>
    %dma_start3A_366 = tpu.memref_slice %arg4[%add3A_363] : memref<16384xf32, #tpu.memory_space<hbm>> -> memref<256xf32, #tpu.memory_space<hbm>>
    %dma_start3A_367 = tpu.memref_slice %arg4[%add3A_363] : memref<16384xf32, #tpu.memory_space<hbm>> -> memref<256xf32, #tpu.memory_space<hbm>>
    %dma_start3A_368 = arith.constant 512 : i32
    %dma_start3A_369 = tpu.memref_slice %arg7[%dma_start3A_368] : memref<1024xf32, #tpu.memory_space<vmem>> -> memref<256xf32, #tpu.memory_space<vmem>>
    tpu.enqueue_dma source(%dma_start3A_369 : memref<256xf32, #tpu.memory_space<vmem>>) target(%dma_start3A_367 : memref<256xf32, #tpu.memory_space<hbm>>) target_semaphore(%arg10 : memref<!tpu.dma_semaphore, #tpu.memory_space<semaphore_mem>>)
    %get3A_370 = arith.constant 768 : index
    %get3A_371 = tpu.vector_load %arg6[%get3A_370] {strides = array<i32>} : memref<1024xi32, #tpu.memory_space<vmem>>, vector<16xi32>,
    %gather3A_372 = tpu.vector_load_idx %arg5[%get3A_371] : memref<32xf32, #tpu.memory_space<vmem>>[vector<16xi32>], vector<16xf32>,
    %swap3A_373 = arith.constant 768 : index
    %swap3A_374 = tpu.vector_load %arg7[%swap3A_373] {strides = array<i32>} : memref<1024xf32, #tpu.memory_space<vmem>>, vector<16xf32>,
    tpu.vector_store %arg7[%swap3A_373], %gather3A_372 {strides = array<i32>} : memref<1024xf32, #tpu.memory_space<vmem>>, vector<16xf32>,
    %get3A_375 = arith.constant 784 : index
    %get3A_376 = tpu.vector_load %arg6[%get3A_375] {strides = array<i32>} : memref<1024xi32, #tpu.memory_space<vmem>>, vector<16xi32>,
    %gather3A_377 = tpu.vector_load_idx %arg5[%get3A_376] : memref<32xf32, #tpu.memory_space<vmem>>[vector<16xi32>], vector<16xf32>,
    %swap3A_378 = arith.constant 784 : index
    %swap3A_379 = tpu.vector_load %arg7[%swap3A_378] {strides = array<i32>} : memref<1024xf32, #tpu.memory_space<vmem>>, vector<16xf32>,
    tpu.vector_store %arg7[%swap3A_378], %gather3A_377 {strides = array<i32>} : memref<1024xf32, #tpu.memory_space<vmem>>, vector<16xf32>,
    %get3A_380 = arith.constant 800 : index
    %get3A_381 = tpu.vector_load %arg6[%get3A_380] {strides = array<i32>} : memref<1024xi32, #tpu.memory_space<vmem>>, vector<16xi32>,
    %gather3A_382 = tpu.vector_load_idx %arg5[%get3A_381] : memref<32xf32, #tpu.memory_space<vmem>>[vector<16xi32>], vector<16xf32>,
    %swap3A_383 = arith.constant 800 : index
    %swap3A_384 = tpu.vector_load %arg7[%swap3A_383] {strides = array<i32>} : memref<1024xf32, #tpu.memory_space<vmem>>, vector<16xf32>,
    tpu.vector_store %arg7[%swap3A_383], %gather3A_382 {strides = array<i32>} : memref<1024xf32, #tpu.memory_space<vmem>>, vector<16xf32>,
    %get3A_385 = arith.constant 816 : index
    %get3A_386 = tpu.vector_load %arg6[%get3A_385] {strides = array<i32>} : memref<1024xi32, #tpu.memory_space<vmem>>, vector<16xi32>,
    %gather3A_387 = tpu.vector_load_idx %arg5[%get3A_386] : memref<32xf32, #tpu.memory_space<vmem>>[vector<16xi32>], vector<16xf32>,
    %swap3A_388 = arith.constant 816 : index
    %swap3A_389 = tpu.vector_load %arg7[%swap3A_388] {strides = array<i32>} : memref<1024xf32, #tpu.memory_space<vmem>>, vector<16xf32>,
    tpu.vector_store %arg7[%swap3A_388], %gather3A_387 {strides = array<i32>} : memref<1024xf32, #tpu.memory_space<vmem>>, vector<16xf32>,
    %get3A_390 = arith.constant 832 : index
    %get3A_391 = tpu.vector_load %arg6[%get3A_390] {strides = array<i32>} : memref<1024xi32, #tpu.memory_space<vmem>>, vector<16xi32>,
    %gather3A_392 = tpu.vector_load_idx %arg5[%get3A_391] : memref<32xf32, #tpu.memory_space<vmem>>[vector<16xi32>], vector<16xf32>,
    %swap3A_393 = arith.constant 832 : index
    %swap3A_394 = tpu.vector_load %arg7[%swap3A_393] {strides = array<i32>} : memref<1024xf32, #tpu.memory_space<vmem>>, vector<16xf32>,
    tpu.vector_store %arg7[%swap3A_393], %gather3A_392 {strides = array<i32>} : memref<1024xf32, #tpu.memory_space<vmem>>, vector<16xf32>,
    %get3A_395 = arith.constant 848 : index
    %get3A_396 = tpu.vector_load %arg6[%get3A_395] {strides = array<i32>} : memref<1024xi32, #tpu.memory_space<vmem>>, vector<16xi32>,
    %gather3A_397 = tpu.vector_load_idx %arg5[%get3A_396] : memref<32xf32, #tpu.memory_space<vmem>>[vector<16xi32>], vector<16xf32>,
    %swap3A_398 = arith.constant 848 : index
    %swap3A_399 = tpu.vector_load %arg7[%swap3A_398] {strides = array<i32>} : memref<1024xf32, #tpu.memory_space<vmem>>, vector<16xf32>,
    tpu.vector_store %arg7[%swap3A_398], %gather3A_397 {strides = array<i32>} : memref<1024xf32, #tpu.memory_space<vmem>>, vector<16xf32>,
    %get3A_400 = arith.constant 864 : index
    %get3A_401 = tpu.vector_load %arg6[%get3A_400] {strides = array<i32>} : memref<1024xi32, #tpu.memory_space<vmem>>, vector<16xi32>,
    %gather3A_402 = tpu.vector_load_idx %arg5[%get3A_401] : memref<32xf32, #tpu.memory_space<vmem>>[vector<16xi32>], vector<16xf32>,
    %swap3A_403 = arith.constant 864 : index
    %swap3A_404 = tpu.vector_load %arg7[%swap3A_403] {strides = array<i32>} : memref<1024xf32, #tpu.memory_space<vmem>>, vector<16xf32>,
    tpu.vector_store %arg7[%swap3A_403], %gather3A_402 {strides = array<i32>} : memref<1024xf32, #tpu.memory_space<vmem>>, vector<16xf32>,
    %get3A_405 = arith.constant 880 : index
    %get3A_406 = tpu.vector_load %arg6[%get3A_405] {strides = array<i32>} : memref<1024xi32, #tpu.memory_space<vmem>>, vector<16xi32>,
    %gather3A_407 = tpu.vector_load_idx %arg5[%get3A_406] : memref<32xf32, #tpu.memory_space<vmem>>[vector<16xi32>], vector<16xf32>,
    %swap3A_408 = arith.constant 880 : index
    %swap3A_409 = tpu.vector_load %arg7[%swap3A_408] {strides = array<i32>} : memref<1024xf32, #tpu.memory_space<vmem>>, vector<16xf32>,
    tpu.vector_store %arg7[%swap3A_408], %gather3A_407 {strides = array<i32>} : memref<1024xf32, #tpu.memory_space<vmem>>, vector<16xf32>,
    %get3A_410 = arith.constant 896 : index
    %get3A_411 = tpu.vector_load %arg6[%get3A_410] {strides = array<i32>} : memref<1024xi32, #tpu.memory_space<vmem>>, vector<16xi32>,
    %gather3A_412 = tpu.vector_load_idx %arg5[%get3A_411] : memref<32xf32, #tpu.memory_space<vmem>>[vector<16xi32>], vector<16xf32>,
    %swap3A_413 = arith.constant 896 : index
    %swap3A_414 = tpu.vector_load %arg7[%swap3A_413] {strides = array<i32>} : memref<1024xf32, #tpu.memory_space<vmem>>, vector<16xf32>,
    tpu.vector_store %arg7[%swap3A_413], %gather3A_412 {strides = array<i32>} : memref<1024xf32, #tpu.memory_space<vmem>>, vector<16xf32>,
    %get3A_415 = arith.constant 912 : index
    %get3A_416 = tpu.vector_load %arg6[%get3A_415] {strides = array<i32>} : memref<1024xi32, #tpu.memory_space<vmem>>, vector<16xi32>,
    %gather3A_417 = tpu.vector_load_idx %arg5[%get3A_416] : memref<32xf32, #tpu.memory_space<vmem>>[vector<16xi32>], vector<16xf32>,
    %swap3A_418 = arith.constant 912 : index
    %swap3A_419 = tpu.vector_load %arg7[%swap3A_418] {strides = array<i32>} : memref<1024xf32, #tpu.memory_space<vmem>>, vector<16xf32>,
    tpu.vector_store %arg7[%swap3A_418], %gather3A_417 {strides = array<i32>} : memref<1024xf32, #tpu.memory_space<vmem>>, vector<16xf32>,
    %get3A_420 = arith.constant 928 : index
    %get3A_421 = tpu.vector_load %arg6[%get3A_420] {strides = array<i32>} : memref<1024xi32, #tpu.memory_space<vmem>>, vector<16xi32>,
    %gather3A_422 = tpu.vector_load_idx %arg5[%get3A_421] : memref<32xf32, #tpu.memory_space<vmem>>[vector<16xi32>], vector<16xf32>,
    %swap3A_423 = arith.constant 928 : index
    %swap3A_424 = tpu.vector_load %arg7[%swap3A_423] {strides = array<i32>} : memref<1024xf32, #tpu.memory_space<vmem>>, vector<16xf32>,
    tpu.vector_store %arg7[%swap3A_423], %gather3A_422 {strides = array<i32>} : memref<1024xf32, #tpu.memory_space<vmem>>, vector<16xf32>,
    %get3A_425 = arith.constant 944 : index
    %get3A_426 = tpu.vector_load %arg6[%get3A_425] {strides = array<i32>} : memref<1024xi32, #tpu.memory_space<vmem>>, vector<16xi32>,
    %gather3A_427 = tpu.vector_load_idx %arg5[%get3A_426] : memref<32xf32, #tpu.memory_space<vmem>>[vector<16xi32>], vector<16xf32>,
    %swap3A_428 = arith.constant 944 : index
    %swap3A_429 = tpu.vector_load %arg7[%swap3A_428] {strides = array<i32>} : memref<1024xf32, #tpu.memory_space<vmem>>, vector<16xf32>,
    tpu.vector_store %arg7[%swap3A_428], %gather3A_427 {strides = array<i32>} : memref<1024xf32, #tpu.memory_space<vmem>>, vector<16xf32>,
    %get3A_430 = arith.constant 960 : index
    %get3A_431 = tpu.vector_load %arg6[%get3A_430] {strides = array<i32>} : memref<1024xi32, #tpu.memory_space<vmem>>, vector<16xi32>,
    %gather3A_432 = tpu.vector_load_idx %arg5[%get3A_431] : memref<32xf32, #tpu.memory_space<vmem>>[vector<16xi32>], vector<16xf32>,
    %swap3A_433 = arith.constant 960 : index
    %swap3A_434 = tpu.vector_load %arg7[%swap3A_433] {strides = array<i32>} : memref<1024xf32, #tpu.memory_space<vmem>>, vector<16xf32>,
    tpu.vector_store %arg7[%swap3A_433], %gather3A_432 {strides = array<i32>} : memref<1024xf32, #tpu.memory_space<vmem>>, vector<16xf32>,
    %get3A_435 = arith.constant 976 : index
    %get3A_436 = tpu.vector_load %arg6[%get3A_435] {strides = array<i32>} : memref<1024xi32, #tpu.memory_space<vmem>>, vector<16xi32>,
    %gather3A_437 = tpu.vector_load_idx %arg5[%get3A_436] : memref<32xf32, #tpu.memory_space<vmem>>[vector<16xi32>], vector<16xf32>,
    %swap3A_438 = arith.constant 976 : index
    %swap3A_439 = tpu.vector_load %arg7[%swap3A_438] {strides = array<i32>} : memref<1024xf32, #tpu.memory_space<vmem>>, vector<16xf32>,
    tpu.vector_store %arg7[%swap3A_438], %gather3A_437 {strides = array<i32>} : memref<1024xf32, #tpu.memory_space<vmem>>, vector<16xf32>,
    %get3A_440 = arith.constant 992 : index
    %get3A_441 = tpu.vector_load %arg6[%get3A_440] {strides = array<i32>} : memref<1024xi32, #tpu.memory_space<vmem>>, vector<16xi32>,
    %gather3A_442 = tpu.vector_load_idx %arg5[%get3A_441] : memref<32xf32, #tpu.memory_space<vmem>>[vector<16xi32>], vector<16xf32>,
    %swap3A_443 = arith.constant 992 : index
    %swap3A_444 = tpu.vector_load %arg7[%swap3A_443] {strides = array<i32>} : memref<1024xf32, #tpu.memory_space<vmem>>, vector<16xf32>,
    tpu.vector_store %arg7[%swap3A_443], %gather3A_442 {strides = array<i32>} : memref<1024xf32, #tpu.memory_space<vmem>>, vector<16xf32>,
    %get3A_445 = arith.constant 1008 : index
    %get3A_446 = tpu.vector_load %arg6[%get3A_445] {strides = array<i32>} : memref<1024xi32, #tpu.memory_space<vmem>>, vector<16xi32>,
    %gather3A_447 = tpu.vector_load_idx %arg5[%get3A_446] : memref<32xf32, #tpu.memory_space<vmem>>[vector<16xi32>], vector<16xf32>,
    %swap3A_448 = arith.constant 1008 : index
    %swap3A_449 = tpu.vector_load %arg7[%swap3A_448] {strides = array<i32>} : memref<1024xf32, #tpu.memory_space<vmem>>, vector<16xf32>,
    tpu.vector_store %arg7[%swap3A_448], %gather3A_447 {strides = array<i32>} : memref<1024xf32, #tpu.memory_space<vmem>>, vector<16xf32>,
    %add3A_450 = arith.constant 768 : i32
    %add3A_451 = arith.addi %mul3A_2, %add3A_450 : i32
    %dma_start3A_452 = arith.constant 768 : i32
    %dma_start3A_453 = tpu.memref_slice %arg7[%dma_start3A_452] : memref<1024xf32, #tpu.memory_space<vmem>> -> memref<256xf32, #tpu.memory_space<vmem>>
    %dma_start3A_454 = tpu.memref_slice %arg4[%add3A_451] : memref<16384xf32, #tpu.memory_space<hbm>> -> memref<256xf32, #tpu.memory_space<hbm>>
    %dma_start3A_455 = tpu.memref_slice %arg4[%add3A_451] : memref<16384xf32, #tpu.memory_space<hbm>> -> memref<256xf32, #tpu.memory_space<hbm>>
    %dma_start3A_456 = arith.constant 768 : i32
    %dma_start3A_457 = tpu.memref_slice %arg7[%dma_start3A_456] : memref<1024xf32, #tpu.memory_space<vmem>> -> memref<256xf32, #tpu.memory_space<vmem>>
    tpu.enqueue_dma source(%dma_start3A_457 : memref<256xf32, #tpu.memory_space<vmem>>) target(%dma_start3A_455 : memref<256xf32, #tpu.memory_space<hbm>>) target_semaphore(%arg10 : memref<!tpu.dma_semaphore, #tpu.memory_space<semaphore_mem>>)
    %dma_wait3A_458 = arith.constant 0 : i32
    %dma_wait3A_459 = tpu.memref_slice %arg7[%dma_wait3A_458] : memref<1024xf32, #tpu.memory_space<vmem>> -> memref<256xf32, #tpu.memory_space<vmem>>
    %dma_wait3A_460 = tpu.memref_slice %arg4[%add3A_187] : memref<16384xf32, #tpu.memory_space<hbm>> -> memref<256xf32, #tpu.memory_space<hbm>>
    %dma_wait3A_461 = tpu.memref_slice %arg4[%add3A_187] : memref<16384xf32, #tpu.memory_space<hbm>> -> memref<256xf32, #tpu.memory_space<hbm>>
    %dma_wait3A_462 = arith.constant 0 : i32
    %dma_wait3A_463 = tpu.memref_slice %arg7[%dma_wait3A_462] : memref<1024xf32, #tpu.memory_space<vmem>> -> memref<256xf32, #tpu.memory_space<vmem>>
    tpu.wait_dma2 semaphore(%arg10 : memref<!tpu.dma_semaphore, #tpu.memory_space<semaphore_mem>>) src(%dma_wait3A_463 : memref<256xf32, #tpu.memory_space<vmem>>) dst(%dma_wait3A_461 : memref<256xf32, #tpu.memory_space<hbm>>)
    %dma_wait3A_464 = arith.constant 256 : i32
    %dma_wait3A_465 = tpu.memref_slice %arg7[%dma_wait3A_464] : memref<1024xf32, #tpu.memory_space<vmem>> -> memref<256xf32, #tpu.memory_space<vmem>>
    %dma_wait3A_466 = tpu.memref_slice %arg4[%add3A_275] : memref<16384xf32, #tpu.memory_space<hbm>> -> memref<256xf32, #tpu.memory_space<hbm>>
    %dma_wait3A_467 = tpu.memref_slice %arg4[%add3A_275] : memref<16384xf32, #tpu.memory_space<hbm>> -> memref<256xf32, #tpu.memory_space<hbm>>
    %dma_wait3A_468 = arith.constant 256 : i32
    %dma_wait3A_469 = tpu.memref_slice %arg7[%dma_wait3A_468] : memref<1024xf32, #tpu.memory_space<vmem>> -> memref<256xf32, #tpu.memory_space<vmem>>
    tpu.wait_dma2 semaphore(%arg10 : memref<!tpu.dma_semaphore, #tpu.memory_space<semaphore_mem>>) src(%dma_wait3A_469 : memref<256xf32, #tpu.memory_space<vmem>>) dst(%dma_wait3A_467 : memref<256xf32, #tpu.memory_space<hbm>>)
    %dma_wait3A_470 = arith.constant 512 : i32
    %dma_wait3A_471 = tpu.memref_slice %arg7[%dma_wait3A_470] : memref<1024xf32, #tpu.memory_space<vmem>> -> memref<256xf32, #tpu.memory_space<vmem>>
    %dma_wait3A_472 = tpu.memref_slice %arg4[%add3A_363] : memref<16384xf32, #tpu.memory_space<hbm>> -> memref<256xf32, #tpu.memory_space<hbm>>
    %dma_wait3A_473 = tpu.memref_slice %arg4[%add3A_363] : memref<16384xf32, #tpu.memory_space<hbm>> -> memref<256xf32, #tpu.memory_space<hbm>>
    %dma_wait3A_474 = arith.constant 512 : i32
    %dma_wait3A_475 = tpu.memref_slice %arg7[%dma_wait3A_474] : memref<1024xf32, #tpu.memory_space<vmem>> -> memref<256xf32, #tpu.memory_space<vmem>>
    tpu.wait_dma2 semaphore(%arg10 : memref<!tpu.dma_semaphore, #tpu.memory_space<semaphore_mem>>) src(%dma_wait3A_475 : memref<256xf32, #tpu.memory_space<vmem>>) dst(%dma_wait3A_473 : memref<256xf32, #tpu.memory_space<hbm>>)
    %dma_wait3A_476 = arith.constant 768 : i32
    %dma_wait3A_477 = tpu.memref_slice %arg7[%dma_wait3A_476] : memref<1024xf32, #tpu.memory_space<vmem>> -> memref<256xf32, #tpu.memory_space<vmem>>
    %dma_wait3A_478 = tpu.memref_slice %arg4[%add3A_451] : memref<16384xf32, #tpu.memory_space<hbm>> -> memref<256xf32, #tpu.memory_space<hbm>>
    %dma_wait3A_479 = tpu.memref_slice %arg4[%add3A_451] : memref<16384xf32, #tpu.memory_space<hbm>> -> memref<256xf32, #tpu.memory_space<hbm>>
    %dma_wait3A_480 = arith.constant 768 : i32
    %dma_wait3A_481 = tpu.memref_slice %arg7[%dma_wait3A_480] : memref<1024xf32, #tpu.memory_space<vmem>> -> memref<256xf32, #tpu.memory_space<vmem>>
    tpu.wait_dma2 semaphore(%arg10 : memref<!tpu.dma_semaphore, #tpu.memory_space<semaphore_mem>>) src(%dma_wait3A_481 : memref<256xf32, #tpu.memory_space<vmem>>) dst(%dma_wait3A_479 : memref<256xf32, #tpu.memory_space<hbm>>)
    return
  }
}

</mosaic_0001>

<sc_bundles>
// kernel: kernel.3.cloned.1.call-start
scs
__scs_entry_jumppad:
0x0: {  	(pc) =	sbr.rel $0x88, $3  }
0x1: {  	(tag) =	ssettag $0x0;
	lr =	simm.s32 $0x1  }
0x2: {  	[smem:$0x3F9F] =	sst lr;
	_ =	strace $0xD0000000  }
0x3: {  	_ = 	snop  }
0x4: {  	_ = 	snop  }
0x5: {  	_ = 	snop  }
0x6: {  	_ = 	snop  }
0x7: {  	_ = 	snop  }
__scs_overlays_trampoline_lowered:
0x8: {  	[smem:$0x3FAE] =	sst s0  }
0x9: {  	[smem:$0x3FAF] =	sst s1  }
0xa: {  	[smem:$0x3FB0] =	sst s2  }
0xb: {  	[smem:$0x3FB1] =	sst s3  }
0xc: {  	[smem:$0x3FB2] =	sst s4  }
0xd: {  	[smem:$0x3FB3] =	sst s5  }
0xe: {  	[smem:$0x3FB4] =	sst s6  }
0xf: {  	[smem:$0x3FB5] =	sst s7  }
0x10: {  	[smem:$0x3FB6] =	sst s8  }
0x11: {  	[smem:$0x3FB7] =	sst s9;
	s0 =	simm.s32 @!p0 $0x0  }
0x12: {  	s1 =	sld [smem:$0x3F9D];
	s0 =	simm.s32 @p0 $0x1  }
0x13: {  	[smem:$0x3FB8] =	sst s0;
	s0 =	simm.s32 @!p1 $0x0  }
0x14: {  	s2 =	sld [smem:$0x3F9C];
	s0 =	simm.s32 @p1 $0x1  }
0x15: {  	[smem:$0x3FB9] =	sst s0;
	s0 =	simm.s32 @!p2 $0x0  }
0x16: {  	s3 =	sld [smem:$0x3FDB];
	s0 =	simm.s32 @p2 $0x1  }
0x17: {  	s4 =	simm.s32 $0x1BF5;
	[smem:$0x3FBB] =	sst s0  }
0x18: {  	s0 =	sld [smem:$0x3F9E];
	_ =	swait.ge [sflag:s4], $0x0  }
0x19: {  	s7 =	sld [smem:$0x3F9F]  }
0x1a: {  	s8 =	sadd.s32 $0xFFFFE003, lr  }
0x1b: {  	s9 =	sadd.s32 $0xFFFFFEF7, lr;
	s5 =	simm.s32 $0xFFFFFFFF;
	p2 =	slt.u32 s8, $0xFFFFF086  }
0x1c: {  	p1 =	slt.u32 s9, $0xF7A;
	s5 =	simm.s32 @!p2 $0x0  }
0x1d: {  	s5 =	simm.s32 @p1 $0x1;
	p0 =	seq.s32 s7, s2  }
0x1e: {  	s7 =	smul.u32 @!p0 $0xF7A, s2;
	p2 =	seq.s32 @!p0 s5, $0x0  }
0x1f: {  	s9 =	smul.u32 $0xF7A, s1;
	s8 =	simm.s32 @!p0 $0x1BF5;
	p2 =	por !p2, p0  }
0x20: {  	[sflag:s8] =	ssyncset.s32 @!p0 $0xFFFFF086;
	s6 =	sadd.s32 @!p0 s3, s7;
	s7 =	simm.s32 @!p0 $0x108  }
0x21: {  	s3 =	sadd.s32 s3, s9;
	s6 =	sadd.s32 @!p0 $0x88, s6;
	s7 =	simm.s32 @p2 $0x1082  }
0x22: {  	[simem:s7], [sflag:s8] =	dma.local @!p0 [hbm:s6], $0xF7A  }
0x23: {  	s9 =	sor.u32 $0xD0000000, s2;
	s6 =	simm.s32 $0x108;
	_ =	swait.ge @!p0 [sflag:s8], $0x0  }
0x24: {  	s3 =	sadd.s32 $0x88, s3;
	s6 =	simm.s32 @!p1 $0x1082;
	[sflag:s4] =	ssyncset.s32 $0xFFFFF086  }
0x25: {  	[simem:s6], [sflag:s4] =	dma.local [hbm:s3], $0xF7A  }
0x26: {  	[smem:$0x3F9F] =	sst s1;
	(tag) =	ssettag s2;
	_ =	strace s9  }
0x27: {  	s1 =	sld [smem:$0x3FAF]  }
0x28: {  	s2 =	sld [smem:$0x3FB0]  }
0x29: {  	s4 =	sld [smem:$0x3FB2]  }
0x2a: {  	p0 =	seq.s32 s5, $0x0;
	s5 =	sld [smem:$0x3FB3]  }
0x2b: {  	s6 =	sld [smem:$0x3FB4]  }
0x2c: {  	s7 =	sld [smem:$0x3FB5]  }
0x2d: {  	s3 =	simm.s32 $0x108;
	s8 =	sld [smem:$0x3FB6]  }
0x2e: {  	s3 =	simm.s32 @!p0 $0x1082;
	s9 =	sld [smem:$0x3FB7]  }
0x2f: {  	lr =	sadd.s32 s0, s3;
	s0 =	sld [smem:$0x3FAE]  }
0x30: {  	s3 =	sld [smem:$0x3FB1]  }
0x31: {  	[smem:$0x3FBA] =	sst s10  }
0x32: {  	s10 =	sld [smem:$0x3FB8];
	_ =	sdelay $0x3  }
0x33: {  	p0 =	seq.s32 s10, $0x1;
	s10 =	sld [smem:$0x3FBA];
	_ =	sdelay $0x3  }
0x34: {  	[smem:$0x3FBA] =	sst s10  }
0x35: {  	s10 =	sld [smem:$0x3FB9];
	_ =	sdelay $0x3  }
0x36: {  	p1 =	seq.s32 s10, $0x1;
	s10 =	sld [smem:$0x3FBA];
	_ =	sdelay $0x3  }
0x37: {  	[smem:$0x3FBA] =	sst s10  }
0x38: {  	s10 =	sld [smem:$0x3FBB]  }
0x39: {  	_ = 	snop;
	(pc) =	sbr.ind lr, $3  }
0x3a: {  	_ = 	snop  }
0x3b: {  	_ = 	snop  }
0x3c: {  	p2 =	seq.s32 s10, $0x1;
	s10 =	sld [smem:$0x3FBA]  }
0x3d: {  	_ =	shalt  }
0x3e: {  	_ =	shalt  }
0x3f: {  	_ =	shalt  }
0x40: {  	_ =	shalt  }
0x41: {  	_ =	shalt  }
0x42: {  	_ =	shalt  }
0x43: {  	_ =	shalt  }
0x44: {  	_ =	shalt  }
0x45: {  	_ =	shalt  }
0x46: {  	_ =	shalt  }
0x47: {  	_ =	shalt  }
0x48: {  	_ =	shalt  }
0x49: {  	_ =	shalt  }
0x4a: {  	_ =	shalt  }
0x4b: {  	_ =	shalt  }
0x4c: {  	_ =	shalt  }
0x4d: {  	_ =	shalt  }
0x4e: {  	_ =	shalt  }
0x4f: {  	_ =	shalt  }
0x50: {  	_ =	shalt  }
0x51: {  	_ =	shalt  }
0x52: {  	_ =	shalt  }
0x53: {  	_ =	shalt  }
0x54: {  	_ =	shalt  }
0x55: {  	_ =	shalt  }
0x56: {  	_ =	shalt  }
0x57: {  	_ =	shalt  }
0x58: {  	_ =	shalt  }
0x59: {  	_ =	shalt  }
0x5a: {  	_ =	shalt  }
0x5b: {  	_ =	shalt  }
0x5c: {  	_ =	shalt  }
0x5d: {  	_ =	shalt  }
0x5e: {  	_ =	shalt  }
0x5f: {  	_ =	shalt  }
0x60: {  	_ =	shalt  }
0x61: {  	_ =	shalt  }
0x62: {  	_ =	shalt  }
0x63: {  	_ =	shalt  }
0x64: {  	_ =	shalt  }
0x65: {  	_ =	shalt  }
0x66: {  	_ =	shalt  }
0x67: {  	_ =	shalt  }
0x68: {  	_ =	shalt  }
0x69: {  	_ =	shalt  }
0x6a: {  	_ =	shalt  }
0x6b: {  	_ =	shalt  }
0x6c: {  	_ =	shalt  }
0x6d: {  	_ =	shalt  }
0x6e: {  	_ =	shalt  }
0x6f: {  	_ =	shalt  }
0x70: {  	_ =	shalt  }
0x71: {  	_ =	shalt  }
0x72: {  	_ =	shalt  }
0x73: {  	_ =	shalt  }
0x74: {  	_ =	shalt  }
0x75: {  	_ =	shalt  }
0x76: {  	_ =	shalt  }
0x77: {  	_ =	shalt  }
0x78: {  	_ =	shalt  }
0x79: {  	_ =	shalt  }
0x7a: {  	_ =	shalt  }
0x7b: {  	_ =	shalt  }
0x7c: {  	_ =	shalt  }
0x7d: {  	_ =	shalt  }
0x7e: {  	_ =	shalt  }
0x7f: {  	_ =	shalt  }
0x80: {  	_ =	shalt  }
0x81: {  	_ =	shalt  }
0x82: {  	_ =	shalt  }
0x83: {  	_ =	shalt  }
0x84: {  	_ =	shalt  }
0x85: {  	_ =	shalt  }
0x86: {  	_ =	shalt  }
0x87: {  	_ =	shalt  }
.Lfunc_end0:
.L_simem_size_0:
called_computation_lowered:
.L_overlay_start_0:
0x88: {  	s0 =	sld [smem:$0x3FD9]  }
0x89: {  	s1 =	sld [smem:$0x3FFE];
	_ =	sdelay $0x3  }
0x8a: {  	s0 =	sadd.s32 s1, s0  }
0x8b: {  	[smem:$0x3FC6] =	sst s0  }
0x8c: {  	_ = 	snop  }
0x8d: {  	s0 =	sld [smem:$0x3FC9]  }
0x8e: {  	s17 =	sld [smem:$0x3FC8]  }
0x8f: {  	s2 =	sld [smem:$0x3FD0];
	(tm) =	ssettm $0x1  }
0x90: {  	s3 =	sld [smem:$0x3FFB];
	_ =	sdelay $0x3  }
0x91: {  	_ =	strace s3  }
0x92: {  	s3 =	sld [smem:$0x3FFC];
	_ =	sdelay $0x3  }
0x93: {  	_ =	strace s3  }
0x94: {  	s3 =	sld [smem:$0x3FFD];
	_ =	sdelay $0x3  }
0x95: {  	_ =	strace s3  }
0x96: {  	_ =	strace $0x8FFFFFFF  }
0x97: {  	s18 =	sld [smem:$0x3FDB];
	_ =	sdelay $0x1  }
0x98: {  	s4 =	simm.s32 $_scs_section_size  }
0x99: {  	s5 =	simm.s32 $_size__tile_overlayer_lowered;
	s6 =	simm.s32 $_tile_overlayer_lowered  }
0x9a: {  	s21 =	simm.s32 $0x1BFF;
	s20 =	sshll.u32 s6, $0x1;
	s3 =	sadd.s32 s4, s18  }
0x9b: {  	s7 =	simm.s32 $0x0;
	s19 =	sshll.u32 s5, $0x1;
	s5 =	sadd.s32 s20, s3  }
0x9c: {  	[timem:s7], [sflag:s21] =	dma.local [hbm:s5], s19  }
0x9d: {  	_ =	swait.ge [sflag:s21], s19  }
0x9e: {  	s4 =	ssub.s32 $0x0, s19;
	[sflag:s21] =	ssyncset.done $0x0  }
0x9f: {  	[sflag:s21] =	ssyncadd.s32 s4;
	_ =	sdelay $0x1  }
0xa0: {  	s22 =	simm.s32 $0x1B8B  }
0xa1: {  	_ =	swait.ge [sflag:s22], $0x1  }
0xa2: {  	[sflag:s22] =	ssyncset.done $0x0  }
0xa3: {  	s23 =	simm.s32 $0x1B8E;
	[sflag:s22] =	ssyncadd.s32 $0xFFFFFFFF  }
0xa4: {  	s24 =	simm.s32 $execute0_lowered;
	[smem:$0x3FD2] =	sst s23  }
0xa5: {  	s4 =	sshll.u32 s24, $0x1;
	_ =	strace $0x80000046;
	[dreg:$0x1] =	wrdreg $0xFFFFFFFF  }
0xa6: {  	s25 =	simm.s32 $_size_execute0_lowered;
	s3 =	sadd.s32 s3, s4;
	[dreg:$0x0] =	wrdreg $0x0  }
0xa7: {  	s4 =	sshll.u32 s25, $0x1;
	[dreg:$0x2] =	wrdreg s3  }
0xa8: {  	[dreg:$0x3] =	wrdreg s4  }
0xa9: {  	[dreg:$0x4] =	wrdreg $0xC0  }
0xaa: {  	_ =	task [dreg:s7], $0x5FFFF  }
0xab: {  	[dreg:$0x1] =	wrdreg $0xFFFFFFFF  }
0xac: {  	[dreg:$0x0] =	wrdreg $0x60  }
0xad: {  	[dreg:$0x2] =	wrdreg s17  }
0xae: {  	[dreg:$0x3] =	wrdreg s0  }
0xaf: {  	[dreg:$0x4] =	wrdreg s2  }
0xb0: {  	[dreg:$0x5] =	wrdreg $0x9  }
0xb1: {  	_ =	task.clear_ibuf [dreg:s7], $0x6FFFF;
	_ =	strace $0x90000046  }
0xb2: {  	s26 =	simm.s32 $0x9;
	_ =	strace $0x80000048  }
0xb3: {  	_ =	swait.ge [sflag:s26], $0x1  }
0xb4: {  	[sflag:s26] =	ssyncadd.s32 $0xFFFFFFFF  }
0xb5: {  	_ =	strace $0x90000048  }
0xb6: {  	_ =	sfence  }
0xb7: {  	s28 =	sld [smem:$0x0];
	_ =	sdelay $0x1  }
0xb8: {  	s29 =	srdreg.scid  }
0xb9: {  	s30 =	sshll.u32 s29, $0xD;
	s31 =	sshrl.u32 s29, $0x2  }
0xba: {  	s1 =	sand.u32 $0x1, s29;
	s2 =	sand.u32 $0x4000, s30;
	s0 =	sadd.s32 s31, s28  }
0xbb: {  	s1 =	sor.u32 s2, s1;
	s0 =	sshll.u32 s0, $0x11  }
0xbc: {  	s0 =	sor.u32 s0, s1  }
0xbd: {  	s0 =	sadd.s32 $0x8F2B, s0  }
0xbe: {  	[sflag:s0] =	ssyncadd.remote.s32 $0x1  }
0xbf: {  	_ =	sfence.sel $0xFFFF  }
0xc0: {  	[dreg:$0x0] =	wrdreg $0xFFFFFFFF;
	(pc) =	sbr.abs _section_cstart, $3  }
0xc1: {  	[dreg:$0x1] =	wrdreg $0xFFFFFFFF  }
0xc2: {  	_ =	task.clear_ibuf [dreg:s7], $0x2FFFF;
	_ =	strace $0x9FFFFFFF  }
0xc3: {  	(tm) =	ssettm $0x7FFFFFFF  }
tec
execute0_lowered:
.L_overlay_start_1:
0x0: {  	(tag) =	ssettag $0x1  }
0x1: {  	s5 =	rddreg [dreg:$0x0]  }
0x2: {  	s6 =	rddreg [dreg:$0x1]  }
0x3: {  	s3 =	rddreg [dreg:$0x2];
	s2 =	simm.s32 $0x0  }
0x4: {  	s1 =	stileid.u32;
	[smem:$0x7FF] =	sst s2  }
0x5: {  	s0 =	rddreg [dreg:$0x3];
	s4 =	sshll.u32 s1, $0x7;
	_ =	strace $0x80000047  }
0x6: {  	[tilespmem:s2], [sflag:$0x1] =	stream.linear.gather [hbm4b:s5+s2], $0x1D, $0x38;
	[tilespmem:$0x880] =	vst v63  }
0x7: {  	s21 =	simm.s32 $0x80;
	s22 =	simm.s32 $0x1;
	s20 =	sadd.s32 s6, s4  }
0x8: {  	[tilespmem:s21], [sflag:$0x2] =	stream.linear.gather [hbm4b:s20+s2], $0x400, $0x38;
	[tilespmem:$0x880] =	vst v63  }
0x9: {  	_ =	swait.ge [sflag:s22], $0x1D  }
0xa: {  	[sflag:s22] =	ssyncset.done $0x0  }
0xb: {  	[sflag:s22] =	ssyncadd.s32 $0xFFFFFFE3  }
0xc: {  	v0 =	vld [tilespmem:$0x0]  }
0xd: {  	v1 =	vld [tilespmem:$0x10];
	_ =	sdelay $0x3  }
0xe: {  	v0 =	vadd.f32 $1.000000000e-30, v0  }
0xf: {  	v1 =	vadd.f32 $1.000000000e-30, v1  }
0x10: {  	v2 =	vand.u32 $0x7FFFFF, v0  }
0x11: {  	v3 =	vand.u32 $0x7FFFFF, v1;
	v2 =	vor.u32 $0x3F800000, v2  }
0x12: {  	v3 =	vor.u32 $0x3F800000, v3;
	v2 =	vadd.f32 $-1.000000000e+00, v2  }
0x13: {  	v3 =	vadd.f32 $-1.000000000e+00, v3  }
0x14: {  	v4 =	vmul.f32 $3.044900480e-02, v2  }
0x15: {  	v5 =	vmul.f32 $3.044900480e-02, v3  }
0x16: {  	v4 =	vadd.f32 $-1.315818280e-01, v4  }
0x17: {  	v5 =	vadd.f32 $-1.315818280e-01, v5  }
0x18: {  	v4 =	vmul.f32 v4, v2  }
0x19: {  	v5 =	vmul.f32 v5, v3  }
0x1a: {  	v4 =	vadd.f32 $2.852726880e-01, v4  }
0x1b: {  	v5 =	vadd.f32 $2.852726880e-01, v5  }
0x1c: {  	v4 =	vmul.f32 v4, v2  }
0x1d: {  	v5 =	vmul.f32 v5, v3  }
0x1e: {  	v4 =	vadd.f32 $-4.902307090e-01, v4  }
0x1f: {  	v5 =	vadd.f32 $-4.902307090e-01, v5  }
0x20: {  	v4 =	vmul.f32 v4, v2  }
0x21: {  	v5 =	vmul.f32 v5, v3  }
0x22: {  	v0 =	vshra.s32 v0, $0x17;
	v4 =	vadd.f32 $9.992355100e-01, v4  }
0x23: {  	v1 =	vshra.s32 v1, $0x17;
	v0 =	vadd.s32 $0xFFFFFF81, v0;
	v5 =	vadd.f32 $9.992355100e-01, v5  }
0x24: {  	v1 =	vadd.s32 $0xFFFFFF81, v1;
	v0 =	vcvt.s32.f32 v0;
	v2 =	vmul.f32 v4, v2  }
0x25: {  	v1 =	vcvt.s32.f32 v1;
	v3 =	vmul.f32 v5, v3  }
0x26: {  	v0 =	vmul.f32 $6.931471820e-01, v0;
	v2 =	vadd.f32 $9.975032300e-06, v2  }
0x27: {  	v1 =	vmul.f32 $6.931471820e-01, v1;
	v3 =	vadd.f32 $9.975032300e-06, v3  }
0x28: {  	v0 =	vadd.f32 v2, v0  }
0x29: {  	v1 =	vadd.f32 v3, v1  }
0x2a: {  	[tilespmem:$0x0] =	vst v0  }
0x2b: {  	s23 =	simm.s32 $0x2;
	[tilespmem:$0x10] =	vst v1  }
0x2c: {  	_ =	swait.ge [sflag:s23], $0x400  }
0x2d: {  	[sflag:s23] =	ssyncset.done $0x0  }
0x2e: {  	[sflag:s23] =	ssyncadd.s32 $0xFFFFFC00  }
0x2f: {  	v60 =	vld [tilespmem:$0x80];
	_ =	sdelay $0x5  }
0x30: {  	v61 =	vld [tilespmem:$0x90];
	_ =	sdelay $0x1  }
0x31: {  	v0 =	vld.idx.msk [tilespmem:v60+s2+$0x0], $0xffff;
	_ =	sdelay $0x3  }
0x32: {  	v62 =	vld [tilespmem:$0xA0]  }
0x33: {  	[tilespmem:$0x480] =	vst v0  }
0x34: {  	v0 =	vld.idx.msk [tilespmem:v61+s2+$0x0], $0xffff;
	_ =	sdelay $0x3  }
0x35: {  	v63 =	vld [tilespmem:$0xB0]  }
0x36: {  	[tilespmem:$0x490] =	vst v0  }
0x37: {  	v0 =	vld.idx.msk [tilespmem:v62+s2+$0x0], $0xffff;
	_ =	sdelay $0x3  }
0x38: {  	v4 =	vld [tilespmem:$0xC0]  }
0x39: {  	[tilespmem:$0x4A0] =	vst v0  }
0x3a: {  	v0 =	vld.idx.msk [tilespmem:v63+s2+$0x0], $0xffff;
	_ =	sdelay $0x3  }
0x3b: {  	v5 =	vld [tilespmem:$0xD0]  }
0x3c: {  	[tilespmem:$0x4B0] =	vst v0  }
0x3d: {  	v0 =	vld.idx.msk [tilespmem:v4+s2+$0x0], $0xffff;
	_ =	sdelay $0x3  }
0x3e: {  	v6 =	vld [tilespmem:$0xE0]  }
0x3f: {  	[tilespmem:$0x4C0] =	vst v0  }
0x40: {  	v0 =	vld.idx.msk [tilespmem:v5+s2+$0x0], $0xffff;
	_ =	sdelay $0x3  }
0x41: {  	v7 =	vld [tilespmem:$0xF0]  }
0x42: {  	[tilespmem:$0x4D0] =	vst v0  }
0x43: {  	v0 =	vld.idx.msk [tilespmem:v6+s2+$0x0], $0xffff;
	_ =	sdelay $0x3  }
0x44: {  	v8 =	vld [tilespmem:$0x100]  }
0x45: {  	[tilespmem:$0x4E0] =	vst v0  }
0x46: {  	v0 =	vld.idx.msk [tilespmem:v7+s2+$0x0], $0xffff;
	_ =	sdelay $0x3  }
0x47: {  	v9 =	vld [tilespmem:$0x110]  }
0x48: {  	[tilespmem:$0x4F0] =	vst v0  }
0x49: {  	v0 =	vld.idx.msk [tilespmem:v8+s2+$0x0], $0xffff;
	_ =	sdelay $0x3  }
0x4a: {  	v10 =	vld [tilespmem:$0x120]  }
0x4b: {  	[tilespmem:$0x500] =	vst v0  }
0x4c: {  	v0 =	vld.idx.msk [tilespmem:v9+s2+$0x0], $0xffff;
	_ =	sdelay $0x3  }
0x4d: {  	v11 =	vld [tilespmem:$0x130]  }
0x4e: {  	[tilespmem:$0x510] =	vst v0  }
0x4f: {  	v0 =	vld.idx.msk [tilespmem:v10+s2+$0x0], $0xffff;
	_ =	sdelay $0x3  }
0x50: {  	v12 =	vld [tilespmem:$0x140]  }
0x51: {  	[tilespmem:$0x520] =	vst v0  }
0x52: {  	v0 =	vld.idx.msk [tilespmem:v11+s2+$0x0], $0xffff;
	_ =	sdelay $0x3  }
0x53: {  	v13 =	vld [tilespmem:$0x150]  }
0x54: {  	[tilespmem:$0x530] =	vst v0  }
0x55: {  	v0 =	vld.idx.msk [tilespmem:v12+s2+$0x0], $0xffff;
	_ =	sdelay $0x3  }
0x56: {  	v14 =	vld [tilespmem:$0x160]  }
0x57: {  	[tilespmem:$0x540] =	vst v0  }
0x58: {  	v0 =	vld.idx.msk [tilespmem:v13+s2+$0x0], $0xffff;
	_ =	sdelay $0x3  }
0x59: {  	v15 =	vld [tilespmem:$0x170]  }
0x5a: {  	[tilespmem:$0x550] =	vst v0  }
0x5b: {  	v0 =	vld.idx.msk [tilespmem:v14+s2+$0x0], $0xffff;
	_ =	sdelay $0x4  }
0x5c: {  	[tilespmem:$0x560] =	vst v0  }
0x5d: {  	v0 =	vld.idx.msk [tilespmem:v15+s2+$0x0], $0xffff;
	_ =	sdelay $0x4  }
0x5e: {  	s24 =	simm.s32 $0x480;
	s3 =	sadd.s32 s3, s4;
	[tilespmem:$0x570] =	vst v0  }
0x5f: {  	[hbm4b:s3+s2] =	stream.linear.scatter [tilespmem:s24], [sflag:$0x3], $0x100, $0x38;
	[tilespmem:$0x880] =	vst v63  }
0x60: {  	v16 =	vld [tilespmem:$0x180];
	_ =	sdelay $0x5  }
0x61: {  	v17 =	vld [tilespmem:$0x190];
	_ =	sdelay $0x1  }
0x62: {  	v0 =	vld.idx.msk [tilespmem:v16+s2+$0x0], $0xffff;
	_ =	sdelay $0x3  }
0x63: {  	v18 =	vld [tilespmem:$0x1A0]  }
0x64: {  	[tilespmem:$0x580] =	vst v0  }
0x65: {  	v0 =	vld.idx.msk [tilespmem:v17+s2+$0x0], $0xffff;
	_ =	sdelay $0x3  }
0x66: {  	v19 =	vld [tilespmem:$0x1B0]  }
0x67: {  	[tilespmem:$0x590] =	vst v0  }
0x68: {  	v0 =	vld.idx.msk [tilespmem:v18+s2+$0x0], $0xffff;
	_ =	sdelay $0x3  }
0x69: {  	v20 =	vld [tilespmem:$0x1C0]  }
0x6a: {  	[tilespmem:$0x5A0] =	vst v0  }
0x6b: {  	v0 =	vld.idx.msk [tilespmem:v19+s2+$0x0], $0xffff;
	_ =	sdelay $0x3  }
0x6c: {  	v21 =	vld [tilespmem:$0x1D0]  }
0x6d: {  	[tilespmem:$0x5B0] =	vst v0  }
0x6e: {  	v0 =	vld.idx.msk [tilespmem:v20+s2+$0x0], $0xffff;
	_ =	sdelay $0x3  }
0x6f: {  	v22 =	vld [tilespmem:$0x1E0]  }
0x70: {  	[tilespmem:$0x5C0] =	vst v0  }
0x71: {  	v0 =	vld.idx.msk [tilespmem:v21+s2+$0x0], $0xffff;
	_ =	sdelay $0x3  }
0x72: {  	v23 =	vld [tilespmem:$0x1F0]  }
0x73: {  	[tilespmem:$0x5D0] =	vst v0  }
0x74: {  	v0 =	vld.idx.msk [tilespmem:v22+s2+$0x0], $0xffff;
	_ =	sdelay $0x3  }
0x75: {  	v24 =	vld [tilespmem:$0x200]  }
0x76: {  	[tilespmem:$0x5E0] =	vst v0  }
0x77: {  	v0 =	vld.idx.msk [tilespmem:v23+s2+$0x0], $0xffff;
	_ =	sdelay $0x3  }
0x78: {  	v25 =	vld [tilespmem:$0x210]  }
0x79: {  	[tilespmem:$0x5F0] =	vst v0  }
0x7a: {  	v0 =	vld.idx.msk [tilespmem:v24+s2+$0x0], $0xffff;
	_ =	sdelay $0x3  }
0x7b: {  	v26 =	vld [tilespmem:$0x220]  }
0x7c: {  	[tilespmem:$0x600] =	vst v0  }
0x7d: {  	v0 =	vld.idx.msk [tilespmem:v25+s2+$0x0], $0xffff;
	_ =	sdelay $0x3  }
0x7e: {  	v27 =	vld [tilespmem:$0x230]  }
0x7f: {  	[tilespmem:$0x610] =	vst v0  }
0x80: {  	v0 =	vld.idx.msk [tilespmem:v26+s2+$0x0], $0xffff;
	_ =	sdelay $0x3  }
0x81: {  	v28 =	vld [tilespmem:$0x240]  }
0x82: {  	[tilespmem:$0x620] =	vst v0  }
0x83: {  	v0 =	vld.idx.msk [tilespmem:v27+s2+$0x0], $0xffff;
	_ =	sdelay $0x3  }
0x84: {  	v29 =	vld [tilespmem:$0x250]  }
0x85: {  	[tilespmem:$0x630] =	vst v0  }
0x86: {  	v0 =	vld.idx.msk [tilespmem:v28+s2+$0x0], $0xffff;
	_ =	sdelay $0x3  }
0x87: {  	v30 =	vld [tilespmem:$0x260]  }
0x88: {  	[tilespmem:$0x640] =	vst v0  }
0x89: {  	v0 =	vld.idx.msk [tilespmem:v29+s2+$0x0], $0xffff;
	_ =	sdelay $0x3  }
0x8a: {  	v31 =	vld [tilespmem:$0x270]  }
0x8b: {  	[tilespmem:$0x650] =	vst v0  }
0x8c: {  	v0 =	vld.idx.msk [tilespmem:v30+s2+$0x0], $0xffff;
	_ =	sdelay $0x4  }
0x8d: {  	[tilespmem:$0x660] =	vst v0  }
0x8e: {  	v0 =	vld.idx.msk [tilespmem:v31+s2+$0x0], $0xffff;
	_ =	sdelay $0x4  }
0x8f: {  	s26 =	simm.s32 $0x580;
	s25 =	sadd.s32 $0x20, s3;
	[tilespmem:$0x670] =	vst v0  }
0x90: {  	[hbm4b:s25+s2] =	stream.linear.scatter [tilespmem:s26], [sflag:$0x3], $0x100, $0x38;
	[tilespmem:$0x880] =	vst v63  }
0x91: {  	v32 =	vld [tilespmem:$0x280];
	_ =	sdelay $0x5  }
0x92: {  	v33 =	vld [tilespmem:$0x290];
	_ =	sdelay $0x1  }
0x93: {  	v0 =	vld.idx.msk [tilespmem:v32+s2+$0x0], $0xffff;
	_ =	sdelay $0x3  }
0x94: {  	v34 =	vld [tilespmem:$0x2A0]  }
0x95: {  	[tilespmem:$0x680] =	vst v0  }
0x96: {  	v0 =	vld.idx.msk [tilespmem:v33+s2+$0x0], $0xffff;
	_ =	sdelay $0x3  }
0x97: {  	v35 =	vld [tilespmem:$0x2B0]  }
0x98: {  	[tilespmem:$0x690] =	vst v0  }
0x99: {  	v0 =	vld.idx.msk [tilespmem:v34+s2+$0x0], $0xffff;
	_ =	sdelay $0x3  }
0x9a: {  	v36 =	vld [tilespmem:$0x2C0]  }
0x9b: {  	[tilespmem:$0x6A0] =	vst v0  }
0x9c: {  	v0 =	vld.idx.msk [tilespmem:v35+s2+$0x0], $0xffff;
	_ =	sdelay $0x3  }
0x9d: {  	v37 =	vld [tilespmem:$0x2D0]  }
0x9e: {  	[tilespmem:$0x6B0] =	vst v0  }
0x9f: {  	v0 =	vld.idx.msk [tilespmem:v36+s2+$0x0], $0xffff;
	_ =	sdelay $0x3  }
0xa0: {  	v38 =	vld [tilespmem:$0x2E0]  }
0xa1: {  	[tilespmem:$0x6C0] =	vst v0  }
0xa2: {  	v0 =	vld.idx.msk [tilespmem:v37+s2+$0x0], $0xffff;
	_ =	sdelay $0x3  }
0xa3: {  	v39 =	vld [tilespmem:$0x2F0]  }
0xa4: {  	[tilespmem:$0x6D0] =	vst v0  }
0xa5: {  	v0 =	vld.idx.msk [tilespmem:v38+s2+$0x0], $0xffff;
	_ =	sdelay $0x3  }
0xa6: {  	v40 =	vld [tilespmem:$0x300]  }
0xa7: {  	[tilespmem:$0x6E0] =	vst v0  }
0xa8: {  	v0 =	vld.idx.msk [tilespmem:v39+s2+$0x0], $0xffff;
	_ =	sdelay $0x3  }
0xa9: {  	v41 =	vld [tilespmem:$0x310]  }
0xaa: {  	[tilespmem:$0x6F0] =	vst v0  }
0xab: {  	v0 =	vld.idx.msk [tilespmem:v40+s2+$0x0], $0xffff;
	_ =	sdelay $0x3  }
0xac: {  	v42 =	vld [tilespmem:$0x320]  }
0xad: {  	[tilespmem:$0x700] =	vst v0  }
0xae: {  	v0 =	vld.idx.msk [tilespmem:v41+s2+$0x0], $0xffff;
	_ =	sdelay $0x3  }
0xaf: {  	v43 =	vld [tilespmem:$0x330]  }
0xb0: {  	[tilespmem:$0x710] =	vst v0  }
0xb1: {  	v0 =	vld.idx.msk [tilespmem:v42+s2+$0x0], $0xffff;
	_ =	sdelay $0x3  }
0xb2: {  	v44 =	vld [tilespmem:$0x340]  }
0xb3: {  	[tilespmem:$0x720] =	vst v0  }
0xb4: {  	v0 =	vld.idx.msk [tilespmem:v43+s2+$0x0], $0xffff;
	_ =	sdelay $0x3  }
0xb5: {  	v45 =	vld [tilespmem:$0x350]  }
0xb6: {  	[tilespmem:$0x730] =	vst v0  }
0xb7: {  	v0 =	vld.idx.msk [tilespmem:v44+s2+$0x0], $0xffff;
	_ =	sdelay $0x3  }
0xb8: {  	v46 =	vld [tilespmem:$0x360]  }
0xb9: {  	[tilespmem:$0x740] =	vst v0  }
0xba: {  	v0 =	vld.idx.msk [tilespmem:v45+s2+$0x0], $0xffff;
	_ =	sdelay $0x3  }
0xbb: {  	v47 =	vld [tilespmem:$0x370]  }
0xbc: {  	[tilespmem:$0x750] =	vst v0  }
0xbd: {  	v0 =	vld.idx.msk [tilespmem:v46+s2+$0x0], $0xffff;
	_ =	sdelay $0x4  }
0xbe: {  	[tilespmem:$0x760] =	vst v0  }
0xbf: {  	v0 =	vld.idx.msk [tilespmem:v47+s2+$0x0], $0xffff;
	_ =	sdelay $0x4  }
0xc0: {  	s29 =	simm.s32 $0x680;
	s28 =	sadd.s32 $0x40, s3;
	[tilespmem:$0x770] =	vst v0  }
0xc1: {  	[hbm4b:s28+s2] =	stream.linear.scatter [tilespmem:s29], [sflag:$0x3], $0x100, $0x38;
	[tilespmem:$0x880] =	vst v63  }
0xc2: {  	v48 =	vld [tilespmem:$0x380];
	_ =	sdelay $0x5  }
0xc3: {  	v49 =	vld [tilespmem:$0x390];
	_ =	sdelay $0x1  }
0xc4: {  	v0 =	vld.idx.msk [tilespmem:v48+s2+$0x0], $0xffff;
	_ =	sdelay $0x3  }
0xc5: {  	v50 =	vld [tilespmem:$0x3A0]  }
0xc6: {  	[tilespmem:$0x780] =	vst v0  }
0xc7: {  	v0 =	vld.idx.msk [tilespmem:v49+s2+$0x0], $0xffff;
	_ =	sdelay $0x3  }
0xc8: {  	v51 =	vld [tilespmem:$0x3B0]  }
0xc9: {  	[tilespmem:$0x790] =	vst v0  }
0xca: {  	v0 =	vld.idx.msk [tilespmem:v50+s2+$0x0], $0xffff;
	_ =	sdelay $0x3  }
0xcb: {  	v52 =	vld [tilespmem:$0x3C0]  }
0xcc: {  	[tilespmem:$0x7A0] =	vst v0  }
0xcd: {  	v0 =	vld.idx.msk [tilespmem:v51+s2+$0x0], $0xffff;
	_ =	sdelay $0x3  }
0xce: {  	v53 =	vld [tilespmem:$0x3D0]  }
0xcf: {  	[tilespmem:$0x7B0] =	vst v0  }
0xd0: {  	v0 =	vld.idx.msk [tilespmem:v52+s2+$0x0], $0xffff;
	_ =	sdelay $0x3  }
0xd1: {  	v54 =	vld [tilespmem:$0x3E0]  }
0xd2: {  	[tilespmem:$0x7C0] =	vst v0  }
0xd3: {  	v0 =	vld.idx.msk [tilespmem:v53+s2+$0x0], $0xffff;
	_ =	sdelay $0x3  }
0xd4: {  	v55 =	vld [tilespmem:$0x3F0]  }
0xd5: {  	[tilespmem:$0x7D0] =	vst v0  }
0xd6: {  	v0 =	vld.idx.msk [tilespmem:v54+s2+$0x0], $0xffff;
	_ =	sdelay $0x3  }
0xd7: {  	v56 =	vld [tilespmem:$0x400]  }
0xd8: {  	[tilespmem:$0x7E0] =	vst v0  }
0xd9: {  	v0 =	vld.idx.msk [tilespmem:v55+s2+$0x0], $0xffff;
	_ =	sdelay $0x3  }
0xda: {  	v57 =	vld [tilespmem:$0x410]  }
0xdb: {  	[tilespmem:$0x7F0] =	vst v0  }
0xdc: {  	v0 =	vld.idx.msk [tilespmem:v56+s2+$0x0], $0xffff;
	_ =	sdelay $0x3  }
0xdd: {  	v58 =	vld [tilespmem:$0x420]  }
0xde: {  	[tilespmem:$0x800] =	vst v0  }
0xdf: {  	v0 =	vld.idx.msk [tilespmem:v57+s2+$0x0], $0xffff;
	_ =	sdelay $0x3  }
0xe0: {  	v59 =	vld [tilespmem:$0x430]  }
0xe1: {  	[tilespmem:$0x810] =	vst v0  }
0xe2: {  	v0 =	vld.idx.msk [tilespmem:v58+s2+$0x0], $0xffff;
	_ =	sdelay $0x3  }
0xe3: {  	v60 =	vld [tilespmem:$0x440]  }
0xe4: {  	[tilespmem:$0x820] =	vst v0  }
0xe5: {  	v0 =	vld.idx.msk [tilespmem:v59+s2+$0x0], $0xffff;
	_ =	sdelay $0x3  }
0xe6: {  	v61 =	vld [tilespmem:$0x450]  }
0xe7: {  	[tilespmem:$0x830] =	vst v0  }
0xe8: {  	v0 =	vld.idx.msk [tilespmem:v60+s2+$0x0], $0xffff;
	_ =	sdelay $0x3  }
0xe9: {  	v62 =	vld [tilespmem:$0x460]  }
0xea: {  	[tilespmem:$0x840] =	vst v0  }
0xeb: {  	v0 =	vld.idx.msk [tilespmem:v61+s2+$0x0], $0xffff;
	_ =	sdelay $0x3  }
0xec: {  	v63 =	vld [tilespmem:$0x470]  }
0xed: {  	[tilespmem:$0x850] =	vst v0  }
0xee: {  	v0 =	vld.idx.msk [tilespmem:v62+s2+$0x0], $0xffff;
	_ =	sdelay $0x4  }
0xef: {  	[tilespmem:$0x860] =	vst v0  }
0xf0: {  	v0 =	vld.idx.msk [tilespmem:v63+s2+$0x0], $0xffff;
	_ =	sdelay $0x4  }
0xf1: {  	s30 =	simm.s32 $0x780;
	s31 =	simm.s32 $0x3;
	s3 =	sadd.s32 $0x60, s3;
	[tilespmem:$0x870] =	vst v0  }
0xf2: {  	[hbm4b:s3+s2] =	stream.linear.scatter [tilespmem:s30], [sflag:$0x3], $0x100, $0x38;
	[tilespmem:$0x880] =	vst v63  }
0xf3: {  	_ =	swait.ge [sflag:s31], $0x100  }
0xf4: {  	[sflag:s31] =	ssyncset.done $0x0  }
0xf5: {  	[sflag:s31] =	ssyncadd.s32 $0xFFFFFF00  }
0xf6: {  	_ =	swait.ge [sflag:s31], $0x100  }
0xf7: {  	[sflag:s31] =	ssyncset.done $0x0  }
0xf8: {  	[sflag:s31] =	ssyncadd.s32 $0xFFFFFF00  }
0xf9: {  	_ =	swait.ge [sflag:s31], $0x100  }
0xfa: {  	[sflag:s31] =	ssyncset.done $0x0  }
0xfb: {  	[sflag:s31] =	ssyncadd.s32 $0xFFFFFF00  }
0xfc: {  	_ =	swait.ge [sflag:s31], $0x100  }
0xfd: {  	[sflag:s31] =	ssyncset.done $0x0  }
0xfe: {  	[sflag:s31] =	ssyncadd.s32 $0xFFFFFF00  }
0xff: {  	_ =	sfence.sel $0x180000  }
0x100: {  	[bflag:$0x0] =	sbarrier.arrive $0xFFFF  }
0x101: {  	p0 =	sne.s32 s1, $0x0;
	_ =	strace $0x90000047  }
0x102: {  	s0 =	sadd.s32 @!p0 $0x100000, s0;
	[bflag:$0x2] =	sbarrier.arrive $0xFFFF  }
0x103: {  	[sflag:s0] =	ssyncadd.tile.s32 @!p0 $0x1;
	_ =	shalt  }
.Lfunc_end2:
_tile_overlayer_lowered:
.L_overlay_start_2:
0x104: {  	(tag) =	ssettag $0x2  }
0x105: {  	s0 =	rddreg [dreg:$0x0];
	s2 =	stileid.u32  }
0x106: {  	s1 =	rddreg [dreg:$0x1];
	p0 =	sne.s32 s2, $0x0  }
0x107: {  	s3 =	rddreg [dreg:$0x2];
	[bflag:$0x3] =	sbarrier.arrive $0xFFFF;
	s2 =	simm.s32 @!p0 $0x1C04  }
0x108: {  	[timem:s3], [sflag:s2] =	dma.local @!p0 [hbm:s0], s1  }
0x109: {  	s0 =	simm.s32 @!p0 $0x4  }
0x10a: {  	_ =	swait.ge @!p0 [sflag:s0], s1  }
0x10b: {  	s1 =	ssub.s32 @!p0 $0x0, s1;
	[sflag:s0] =	ssyncset.done @!p0 $0x0  }
0x10c: {  	[sflag:s0] =	ssyncadd.s32 @!p0 s1  }
0x10d: {  	[bflag:$0x3] =	sbarrier.arrive $0xFFFF  }
0x10e: {  	_ =	shalt  }

</sc_bundles>
